<compile_context>
chip_gen: v7x
topology: tpu7x:2x2x1
jax: 0.10.2.dev20260603
libtpu: 0.0.44.dev20260713+nightly
codegen_flags: <defaults>
</compile_context>

<pallas_src>
import functools

import jax
import jax.numpy as jnp
from jax import lax
from jax.experimental import pallas as pl
from jax.experimental.pallas import tpu as pltpu
from jax.experimental.pallas import tpu_sc as plsc

NUM_EMB = 1000000
DIM = 32
BATCH = 16384
SEQ = 20
TOTAL = BATCH * SEQ

NW = 32
BPW = BATCH // NW
NTILE = BPW // 128
TIDX = 128 * SEQ
SCH = 5
NCH = SEQ // SCH
CLOOK = SCH * 128

NTC = NUM_EMB // 128
SLABS = NUM_EMB // 4


def _conv_body(wt_hbm, wtail_hbm, w2_hbm, s_v, d_v, sl0, sl1, ss0, ss1):
    c = lax.axis_index("c")
    s = lax.axis_index("s")
    wid = s * 2 + c
    lsem = [sl0, sl1]
    ssem = [ss0, ss1]
    iota16 = lax.iota(jnp.int32, 16)

    def tc_of(q):
        return wid + q * 32

    def issue_load(q, par):
        pltpu.async_copy(wt_hbm.at[:, pl.ds(tc_of(q) * 128, 128)],
                         s_v.at[par], lsem[par])

    def transpose(par):
        src = s_v.at[par]
        dst = d_v.at[par]

        @plsc.parallel_loop(0, 256, unroll=8)
        def _tr(k):
            jl = k >> 3
            g = k & 7
            rowv = iota16 + ((g & 1) * 16)
            colv = jnp.full((16,), 0, jnp.int32) + (jl * 4 + (g >> 1))
            v = plsc.load_gather(src, [rowv, colv])
            dst[jl, pl.ds(g * 16, 16)] = v

    issue_load(0, 0)

    def do_cc(cc, carry):
        for par in range(2):
            q = cc * 2 + par
            nxt = 1 - par

            @pl.when(q + 1 < 244)
            def _issue():
                issue_load(q + 1, nxt)

            pltpu.make_async_copy(wt_hbm.at[:, pl.ds(0, 128)],
                                  s_v.at[par], lsem[par]).wait()

            @pl.when(q >= 2)
            def _drain():
                pltpu.make_async_copy(d_v.at[par], w2_hbm.at[pl.ds(0, 32), :],
                                      ssem[par]).wait()

            transpose(par)
            pltpu.async_copy(d_v.at[par],
                             w2_hbm.at[pl.ds(tc_of(q) * 32, 32), :],
                             ssem[par])
        return carry

    lax.fori_loop(0, 122, do_cc, 0)
    for par in range(2):
        pltpu.make_async_copy(d_v.at[par], w2_hbm.at[pl.ds(0, 32), :],
                              ssem[par]).wait()

    @pl.when(wid <= 3)
    def _last_full():
        pltpu.sync_copy(wt_hbm.at[:, pl.ds(tc_of(244) * 128, 128)], s_v.at[0])
        transpose(0)
        pltpu.sync_copy(d_v.at[0], w2_hbm.at[pl.ds(tc_of(244) * 32, 32), :])

    @pl.when(wid == 4)
    def _tail():
        pltpu.sync_copy(wtail_hbm, d_v.at[0, pl.ds(0, 16), :])
        pltpu.sync_copy(d_v.at[0, pl.ds(0, 16), :],
                        w2_hbm.at[pl.ds(NTC * 32, 16), :])


def _emb_body(ids_hbm, tab_hbm, out_hbm, idx_v, idxT_v, rows_v, stage_v,
              sg0, sg1, ss0, ss1):
    c = lax.axis_index("c")
    s = lax.axis_index("s")
    wid = s * 2 + c
    gsem = [sg0, sg1]
    ssem = [ss0, ss1]
    iota16 = lax.iota(jnp.int32, 16)
    iota_s = iota16 * SEQ
    c_blk0 = iota16 // 8
    c_blk1 = c_blk0 + 2
    c_ds = (iota16 % 8) * 128

    def do_tile(t, carry):
        base_b = wid * BPW + t * 128
        wb = wid * NTILE + t
        pltpu.sync_copy(ids_hbm.at[pl.ds(base_b * SEQ, TIDX)], idx_v)

        @plsc.parallel_loop(0, SEQ * 8, unroll=8)
        def _build(k):
            sq = k >> 3
            g = k & 7
            vec = plsc.load_gather(idx_v, [iota_s + (g * 16 * SEQ + sq)])
            idxT_v[pl.ds(sq * 128 + g * 16, 16)] = vec

        pltpu.async_copy(tab_hbm.at[idxT_v.at[pl.ds(0, CLOOK)]],
                         rows_v.at[0], gsem[0])

        def do_cc(cc, carry2):
            for par in range(2):
                q = cc * 2 + par
                nxt = 1 - par

                @pl.when(q < NCH - 1)
                def _issue():
                    pltpu.async_copy(
                        tab_hbm.at[idxT_v.at[pl.ds((q + 1) * CLOOK, CLOOK)]],
                        rows_v.at[nxt], gsem[nxt])

                pltpu.make_async_copy(tab_hbm.at[pl.ds(0, CLOOK)],
                                      rows_v.at[par], gsem[par]).wait()

                @pl.when(q >= 2)
                def _drain():
                    pltpu.make_async_copy(
                        stage_v.at[par],
                        out_hbm.at[pl.ds(0, SCH * 4), pl.ds(0, 1024)],
                        ssem[par]).wait()

                rows = rows_v.at[par]
                stg = stage_v.at[par]

                @plsc.parallel_loop(0, CLOOK, unroll=8)
                def _tr(r):
                    sl4 = (r >> 7) * 4
                    bl = r & 127
                    v0 = rows[r, pl.ds(0, 16)]
                    v1 = rows[r, pl.ds(16, 16)]
                    col = c_ds + bl
                    plsc.store_scatter(stg, [c_blk0 + sl4, col], v0)
                    plsc.store_scatter(stg, [c_blk1 + sl4, col], v1)

                pltpu.async_copy(
                    stg,
                    out_hbm.at[pl.ds(q * SCH * 4, SCH * 4),
                               pl.ds(wb * 1024, 1024)],
                    ssem[par])
            return carry2

        lax.fori_loop(0, NCH // 2, do_cc, 0)
        for par in range(2):
            pltpu.make_async_copy(stage_v.at[par],
                                  out_hbm.at[pl.ds(0, SCH * 4), pl.ds(0, 1024)],
                                  ssem[par]).wait()
        return carry

    lax.fori_loop(0, NTILE, do_tile, 0)


@jax.jit
def _run(token_ids, weight):
    mesh = plsc.VectorSubcoreMesh(core_axis_name="c", subcore_axis_name="s")
    conv = functools.partial(
        pl.kernel,
        mesh=mesh,
        out_type=jax.ShapeDtypeStruct((SLABS, 128), jnp.float32),
        scratch_types=[
            pltpu.VMEM((2, 32, 128), jnp.float32),
            pltpu.VMEM((2, 32, 128), jnp.float32),
            pltpu.SemaphoreType.DMA,
            pltpu.SemaphoreType.DMA,
            pltpu.SemaphoreType.DMA,
            pltpu.SemaphoreType.DMA,
        ],
        compiler_params=pltpu.CompilerParams(use_tc_tiling_on_sc=True,
                                             needs_layout_passes=False),
    )(_conv_body)
    emb = functools.partial(
        pl.kernel,
        mesh=mesh,
        out_type=jax.ShapeDtypeStruct((SEQ * DIM // 8, BATCH * 8), jnp.float32),
        scratch_types=[
            pltpu.VMEM((TIDX,), jnp.int32),
            pltpu.VMEM((TIDX,), jnp.int32),
            pltpu.VMEM((2, CLOOK, DIM), jnp.float32),
            pltpu.VMEM((2, SCH * 4, 1024), jnp.float32),
            pltpu.SemaphoreType.DMA,
            pltpu.SemaphoreType.DMA,
            pltpu.SemaphoreType.DMA,
            pltpu.SemaphoreType.DMA,
        ],
        compiler_params=pltpu.CompilerParams(use_tc_tiling_on_sc=False,
                                             needs_layout_passes=False),
    )(_emb_body)

    wtail = weight[NTC * 128:].reshape(16, 128)
    w2 = conv(weight.T, wtail)
    w2r = w2.reshape(NUM_EMB, DIM)
    ids = token_ids.reshape(-1).astype(jnp.int32)
    out2 = emb(ids, w2r)
    out5 = out2.reshape(SEQ, DIM // 8, BATCH // 128, 8, 128)
    return out5.transpose(2, 4, 0, 1, 3).reshape(BATCH, SEQ, DIM)


def kernel(token_ids, weight):
    return _run(token_ids, weight)

# --- scband reference (transcript-rebuilt; emitter-appended) ---
"""Pipeline reference for scband-embedding-7215545057782 (READ-ONLY COPY).

The authoritative reference and input builder live on the scoring server;
editing this copy changes nothing except your own understanding.
"""

import jax, jax.numpy as jnp
import numpy as np

NUM_EMBEDDINGS = 1000000
EMBEDDING_DIM = 32
BATCH = 16384
SEQ_LEN = 20


def setup_inputs(seed: int = 0) -> dict:
    key = jax.random.key(seed)
    k_idx, k_w = jax.random.split(key)
    token_ids = jax.random.randint(k_idx, (BATCH, SEQ_LEN), 0, NUM_EMBEDDINGS, dtype=jnp.int64 if jax.config.jax_enable_x64 else jnp.int32)
    # trunc_normal_(mean=0, std=1, a=-3, b=3)
    weight = jax.random.truncated_normal(k_w, -3.0, 3.0, (NUM_EMBEDDINGS, EMBEDDING_DIM), dtype=jnp.float32)
    return {"token_ids": token_ids, "weight": weight}


def reference(token_ids, weight):
    # Embedding lookup: weight[token_ids] -> [batch, seq_len, embedding_dim]
    return jnp.take(weight, token_ids, axis=0)

if __name__ == "__main__":
    import jax
    _d = setup_inputs()
    print(jax.jit(kernel)(*tuple(_d.values())))

</pallas_src>

<mosaic_0001>
#map = affine_map<(d0, d1) -> (0, 0)>
module attributes {stable_mosaic.version = 14 : i64} {
  func.func @_conv_body(%arg0: i32, %arg1: i32, %arg2: memref<32x1000000xf32, #tpu.memory_space<hbm>>, %arg3: memref<16x128xf32, #tpu.memory_space<hbm>>, %arg4: memref<250000x128xf32, #tpu.memory_space<hbm>>, %arg5: memref<2x32x128xf32, #tpu.memory_space<vmem>>, %arg6: memref<2x32x128xf32, #tpu.memory_space<vmem>>, %arg7: memref<!tpu.dma_semaphore, #tpu.memory_space<semaphore_mem>>, %arg8: memref<!tpu.dma_semaphore, #tpu.memory_space<semaphore_mem>>, %arg9: memref<!tpu.dma_semaphore, #tpu.memory_space<semaphore_mem>>, %arg10: memref<!tpu.dma_semaphore, #tpu.memory_space<semaphore_mem>>) attributes {dimension_semantics = [#tpu.dimension_semantics<core_parallel>, #tpu.dimension_semantics<subcore_parallel>], iteration_bounds = array<i64: 2, 16>, scalar_prefetch = 0 : i64, scratch_operands = 6 : i64, tpu.core_type = #tpu.core_type<sc_vector_subcore>, window_params = [{transform_indices = #map}, {transform_indices = #map}, {transform_indices = #map}]} {
    %mul3A = arith.constant 2 : i32
    %mul3A_0 = arith.muli %arg1, %mul3A : i32
    %add3A = arith.addi %mul3A_0, %arg0 : i32
    %iota3A = tpu.iota {dimensions = array<i32: 0>} : vector<16xi32>
    %add3A_1 = arith.constant 0 : i32
    %add3A_2 = arith.addi %add3A, %add3A_1 : i32
    %mul3A_3 = arith.constant 128 : i32
    %mul3A_4 = arith.muli %add3A_2, %mul3A_3 : i32
    %dma_start3A = arith.constant 0 : i32
    %dma_start3A_5 = arith.constant 0 : i32
    %dma_start3A_6 = arith.constant 0 : i32
    %dma_start3A_7 = tpu.memref_slice %arg5[%dma_start3A, %dma_start3A_5, %dma_start3A_6] : memref<2x32x128xf32, #tpu.memory_space<vmem>> -> memref<1x32x128xf32, #tpu.memory_space<vmem>>
    %dma_start3A_8 = tpu.memref_squeeze %dma_start3A_7 : memref<1x32x128xf32, #tpu.memory_space<vmem>> -> memref<32x128xf32, #tpu.memory_space<vmem>>
    %dma_start3A_9 = arith.constant 0 : i32
    %dma_start3A_10 = tpu.memref_slice %arg2[%dma_start3A_9, %mul3A_4] : memref<32x1000000xf32, #tpu.memory_space<hbm>> -> memref<32x128xf32, #tpu.memory_space<hbm>>
    %dma_start3A_11 = arith.constant 0 : i32
    %dma_start3A_12 = arith.constant 0 : i32
    %dma_start3A_13 = tpu.memref_slice %arg5[%dma_start3A, %dma_start3A_11, %dma_start3A_12] : memref<2x32x128xf32, #tpu.memory_space<vmem>> -> memref<1x32x128xf32, #tpu.memory_space<vmem>>
    %dma_start3A_14 = tpu.memref_squeeze %dma_start3A_13 : memref<1x32x128xf32, #tpu.memory_space<vmem>> -> memref<32x128xf32, #tpu.memory_space<vmem>>
    %dma_start3A_15 = arith.constant 0 : i32
    %dma_start3A_16 = tpu.memref_slice %arg2[%dma_start3A_15, %mul3A_4] : memref<32x1000000xf32, #tpu.memory_space<hbm>> -> memref<32x128xf32, #tpu.memory_space<hbm>>
    tpu.enqueue_dma source(%dma_start3A_16 : memref<32x128xf32, #tpu.memory_space<hbm>>) target(%dma_start3A_14 : memref<32x128xf32, #tpu.memory_space<vmem>>) target_semaphore(%arg7 : memref<!tpu.dma_semaphore, #tpu.memory_space<semaphore_mem>>)
    %scan3A = arith.constant 0 : i32
    %scan3A_17 = arith.constant 0 : i32
    %scan3A_18 = arith.constant 122 : i32
    %scan3A_19 = arith.addi %scan3A_17, %scan3A_18 : i32
    %scan3A_20 = arith.constant 1 : i32
    scf.for %scan3A_57 = %scan3A_17 to %scan3A_19 step %scan3A_20  : i32 {
      %mul3A_58 = arith.constant 2 : i32
      %mul3A_59 = arith.muli %scan3A_57, %mul3A_58 : i32
      %add3A_60 = arith.constant 0 : i32
      %add3A_61 = arith.addi %mul3A_59, %add3A_60 : i32
      %add3A_62 = arith.constant 1 : i32
      %add3A_63 = arith.addi %add3A_61, %add3A_62 : i32
      %lt3A = arith.constant 244 : i32
      %lt3A_64 = arith.cmpi slt, %add3A_63, %lt3A : i32
      %convert_element_type3A_65 = arith.extui %lt3A_64 : i1 to i32
      %cond3A_66 = arith.constant 0 : i32
      %cond3A_67 = arith.cmpi ne, %convert_element_type3A_65, %cond3A_66 : i32
      scf.if %cond3A_67 {
        %add3A_163 = arith.constant 1 : i32
        %add3A_164 = arith.addi %add3A_61, %add3A_163 : i32
        %mul3A_165 = arith.constant 32 : i32
        %mul3A_166 = arith.muli %add3A_164, %mul3A_165 : i32
        %add3A_167 = arith.addi %add3A, %mul3A_166 : i32
        %mul3A_168 = arith.constant 128 : i32
        %mul3A_169 = arith.muli %add3A_167, %mul3A_168 : i32
        %dma_start3A_170 = arith.constant 1 : i32
        %dma_start3A_171 = arith.constant 0 : i32
        %dma_start3A_172 = arith.constant 0 : i32
        %dma_start3A_173 = tpu.memref_slice %arg5[%dma_start3A_170, %dma_start3A_171, %dma_start3A_172] : memref<2x32x128xf32, #tpu.memory_space<vmem>> -> memref<1x32x128xf32, #tpu.memory_space<vmem>>
        %dma_start3A_174 = tpu.memref_squeeze %dma_start3A_173 : memref<1x32x128xf32, #tpu.memory_space<vmem>> -> memref<32x128xf32, #tpu.memory_space<vmem>>
        %dma_start3A_175 = arith.constant 0 : i32
        %dma_start3A_176 = tpu.memref_slice %arg2[%dma_start3A_175, %mul3A_169] : memref<32x1000000xf32, #tpu.memory_space<hbm>> -> memref<32x128xf32, #tpu.memory_space<hbm>>
        %dma_start3A_177 = arith.constant 0 : i32
        %dma_start3A_178 = arith.constant 0 : i32
        %dma_start3A_179 = tpu.memref_slice %arg5[%dma_start3A_170, %dma_start3A_177, %dma_start3A_178] : memref<2x32x128xf32, #tpu.memory_space<vmem>> -> memref<1x32x128xf32, #tpu.memory_space<vmem>>
        %dma_start3A_180 = tpu.memref_squeeze %dma_start3A_179 : memref<1x32x128xf32, #tpu.memory_space<vmem>> -> memref<32x128xf32, #tpu.memory_space<vmem>>
        %dma_start3A_181 = arith.constant 0 : i32
        %dma_start3A_182 = tpu.memref_slice %arg2[%dma_start3A_181, %mul3A_169] : memref<32x1000000xf32, #tpu.memory_space<hbm>> -> memref<32x128xf32, #tpu.memory_space<hbm>>
        tpu.enqueue_dma source(%dma_start3A_182 : memref<32x128xf32, #tpu.memory_space<hbm>>) target(%dma_start3A_180 : memref<32x128xf32, #tpu.memory_space<vmem>>) target_semaphore(%arg8 : memref<!tpu.dma_semaphore, #tpu.memory_space<semaphore_mem>>)
      } else {
      }
      %dma_wait3A_68 = arith.constant 0 : i32
      %dma_wait3A_69 = arith.constant 0 : i32
      %dma_wait3A_70 = arith.constant 0 : i32
      %dma_wait3A_71 = tpu.memref_slice %arg5[%dma_wait3A_68, %dma_wait3A_69, %dma_wait3A_70] : memref<2x32x128xf32, #tpu.memory_space<vmem>> -> memref<1x32x128xf32, #tpu.memory_space<vmem>>
      %dma_wait3A_72 = tpu.memref_squeeze %dma_wait3A_71 : memref<1x32x128xf32, #tpu.memory_space<vmem>> -> memref<32x128xf32, #tpu.memory_space<vmem>>
      %dma_wait3A_73 = arith.constant 0 : i32
      %dma_wait3A_74 = arith.constant 0 : i32
      %dma_wait3A_75 = tpu.memref_slice %arg2[%dma_wait3A_73, %dma_wait3A_74] : memref<32x1000000xf32, #tpu.memory_space<hbm>> -> memref<32x128xf32, #tpu.memory_space<hbm>>
      %dma_wait3A_76 = arith.constant 0 : i32
      %dma_wait3A_77 = arith.constant 0 : i32
      %dma_wait3A_78 = tpu.memref_slice %arg5[%dma_wait3A_68, %dma_wait3A_76, %dma_wait3A_77] : memref<2x32x128xf32, #tpu.memory_space<vmem>> -> memref<1x32x128xf32, #tpu.memory_space<vmem>>
      %dma_wait3A_79 = tpu.memref_squeeze %dma_wait3A_78 : memref<1x32x128xf32, #tpu.memory_space<vmem>> -> memref<32x128xf32, #tpu.memory_space<vmem>>
      %dma_wait3A_80 = arith.constant 0 : i32
      %dma_wait3A_81 = arith.constant 0 : i32
      %dma_wait3A_82 = tpu.memref_slice %arg2[%dma_wait3A_80, %dma_wait3A_81] : memref<32x1000000xf32, #tpu.memory_space<hbm>> -> memref<32x128xf32, #tpu.memory_space<hbm>>
      tpu.wait_dma2 semaphore(%arg7 : memref<!tpu.dma_semaphore, #tpu.memory_space<semaphore_mem>>) src(%dma_wait3A_82 : memref<32x128xf32, #tpu.memory_space<hbm>>) dst(%dma_wait3A_79 : memref<32x128xf32, #tpu.memory_space<vmem>>)
      %ge3A = arith.constant 2 : i32
      %ge3A_83 = arith.cmpi sge, %add3A_61, %ge3A : i32
      %convert_element_type3A_84 = arith.extui %ge3A_83 : i1 to i32
      %cond3A_85 = arith.constant 0 : i32
      %cond3A_86 = arith.cmpi ne, %convert_element_type3A_84, %cond3A_85 : i32
      scf.if %cond3A_86 {
        %dma_wait3A_163 = arith.constant 0 : i32
        %dma_wait3A_164 = arith.constant 0 : i32
        %dma_wait3A_165 = arith.constant 0 : i32
        %dma_wait3A_166 = tpu.memref_slice %arg6[%dma_wait3A_163, %dma_wait3A_164, %dma_wait3A_165] : memref<2x32x128xf32, #tpu.memory_space<vmem>> -> memref<1x32x128xf32, #tpu.memory_space<vmem>>
        %dma_wait3A_167 = tpu.memref_squeeze %dma_wait3A_166 : memref<1x32x128xf32, #tpu.memory_space<vmem>> -> memref<32x128xf32, #tpu.memory_space<vmem>>
        %dma_wait3A_168 = arith.constant 0 : i32
        %dma_wait3A_169 = arith.constant 0 : i32
        %dma_wait3A_170 = tpu.memref_slice %arg4[%dma_wait3A_168, %dma_wait3A_169] : memref<250000x128xf32, #tpu.memory_space<hbm>> -> memref<32x128xf32, #tpu.memory_space<hbm>>
        %dma_wait3A_171 = arith.constant 0 : i32
        %dma_wait3A_172 = arith.constant 0 : i32
        %dma_wait3A_173 = tpu.memref_slice %arg4[%dma_wait3A_171, %dma_wait3A_172] : memref<250000x128xf32, #tpu.memory_space<hbm>> -> memref<32x128xf32, #tpu.memory_space<hbm>>
        %dma_wait3A_174 = arith.constant 0 : i32
        %dma_wait3A_175 = arith.constant 0 : i32
        %dma_wait3A_176 = tpu.memref_slice %arg6[%dma_wait3A_163, %dma_wait3A_174, %dma_wait3A_175] : memref<2x32x128xf32, #tpu.memory_space<vmem>> -> memref<1x32x128xf32, #tpu.memory_space<vmem>>
        %dma_wait3A_177 = tpu.memref_squeeze %dma_wait3A_176 : memref<1x32x128xf32, #tpu.memory_space<vmem>> -> memref<32x128xf32, #tpu.memory_space<vmem>>
        tpu.wait_dma2 semaphore(%arg9 : memref<!tpu.dma_semaphore, #tpu.memory_space<semaphore_mem>>) src(%dma_wait3A_177 : memref<32x128xf32, #tpu.memory_space<vmem>>) dst(%dma_wait3A_173 : memref<32x128xf32, #tpu.memory_space<hbm>>)
      } else {
      }
      %parallel_loop3A = arith.constant 0 : i32
      %parallel_loop3A_87 = arith.constant 256 : i32
      %parallel_loop3A_88 = arith.constant 1 : i32
      %parallel_loop3A_89 = arith.constant 0 : i32
      %parallel_loop3A_90 = arith.constant 0 : i32
      scf.for %parallel_loop3A_163 = %parallel_loop3A to %parallel_loop3A_87 step %parallel_loop3A_88  : i32 {
        %parallel_loop3A_164 = arith.constant 3 : i32
        %parallel_loop3A_165 = arith.shrsi %parallel_loop3A_163, %parallel_loop3A_164 : i32
        %parallel_loop3A_166 = arith.constant 7 : i32
        %parallel_loop3A_167 = arith.andi %parallel_loop3A_163, %parallel_loop3A_166 : i32
        %parallel_loop3A_168 = arith.constant 1 : i32
        %parallel_loop3A_169 = arith.andi %parallel_loop3A_167, %parallel_loop3A_168 : i32
        %parallel_loop3A_170 = arith.constant 16 : i32
        %parallel_loop3A_171 = arith.muli %parallel_loop3A_169, %parallel_loop3A_170 : i32
        %parallel_loop3A_172 = vector.broadcast %parallel_loop3A_171 : i32 to vector<16xi32>
        %parallel_loop3A_173 = arith.addi %iota3A, %parallel_loop3A_172 : vector<16xi32>
        %parallel_loop3A_174 = arith.constant 0 : i32
        %parallel_loop3A_175 = vector.broadcast %parallel_loop3A_174 : i32 to vector<16xi32>
        %parallel_loop3A_176 = arith.constant 4 : i32
        %parallel_loop3A_177 = arith.muli %parallel_loop3A_165, %parallel_loop3A_176 : i32
        %parallel_loop3A_178 = arith.constant 1 : i32
        %parallel_loop3A_179 = arith.shrsi %parallel_loop3A_167, %parallel_loop3A_178 : i32
        %parallel_loop3A_180 = arith.addi %parallel_loop3A_177, %parallel_loop3A_179 : i32
        %parallel_loop3A_181 = vector.broadcast %parallel_loop3A_180 : i32 to vector<16xi32>
        %parallel_loop3A_182 = arith.addi %parallel_loop3A_175, %parallel_loop3A_181 : vector<16xi32>
        %parallel_loop3A_183 = arith.constant 0 : i32
        %parallel_loop3A_184 = arith.constant 0 : i32
        %parallel_loop3A_185 = tpu.memref_slice %arg5[%parallel_loop3A_89, %parallel_loop3A_183, %parallel_loop3A_184] : memref<2x32x128xf32, #tpu.memory_space<vmem>> -> memref<1x32x128xf32, #tpu.memory_space<vmem>>
        %parallel_loop3A_186 = tpu.memref_squeeze %parallel_loop3A_185 : memref<1x32x128xf32, #tpu.memory_space<vmem>> -> memref<32x128xf32, #tpu.memory_space<vmem>>
        %parallel_loop3A_187 = tpu.vector_load_idx %parallel_loop3A_186[%parallel_loop3A_173, %parallel_loop3A_182] : memref<32x128xf32, #tpu.memory_space<vmem>>[vector<16xi32>, vector<16xi32>], vector<16xf32>,
        %parallel_loop3A_188 = arith.constant 16 : i32
        %parallel_loop3A_189 = arith.muli %parallel_loop3A_167, %parallel_loop3A_188 : i32
        %parallel_loop3A_190 = arith.constant 0 : i32
        %parallel_loop3A_191 = arith.constant 0 : i32
        %parallel_loop3A_192 = tpu.memref_slice %arg6[%parallel_loop3A_90, %parallel_loop3A_190, %parallel_loop3A_191] : memref<2x32x128xf32, #tpu.memory_space<vmem>> -> memref<1x32x128xf32, #tpu.memory_space<vmem>>
        %parallel_loop3A_193 = tpu.memref_squeeze %parallel_loop3A_192 : memref<1x32x128xf32, #tpu.memory_space<vmem>> -> memref<32x128xf32, #tpu.memory_space<vmem>>
        %parallel_loop3A_194 = arith.index_cast %parallel_loop3A_165 : i32 to index
        %parallel_loop3A_195 = arith.index_cast %parallel_loop3A_189 : i32 to index
        %parallel_loop3A_196 = tpu.vector_load %parallel_loop3A_193[%parallel_loop3A_194, %parallel_loop3A_195] {strides = array<i32>} : memref<32x128xf32, #tpu.memory_space<vmem>>, vector<16xf32>,
        tpu.vector_store %parallel_loop3A_193[%parallel_loop3A_194, %parallel_loop3A_195], %parallel_loop3A_187 {strides = array<i32>} : memref<32x128xf32, #tpu.memory_space<vmem>>, vector<16xf32>,
      } {sc.loop_unroll_factor = 8 : i64, sc.parallel_access}
      %mul3A_91 = arith.constant 32 : i32
      %mul3A_92 = arith.muli %add3A_61, %mul3A_91 : i32
      %add3A_93 = arith.addi %add3A, %mul3A_92 : i32
      %mul3A_94 = arith.constant 32 : i32
      %mul3A_95 = arith.muli %add3A_93, %mul3A_94 : i32
      %dma_start3A_96 = arith.constant 0 : i32
      %dma_start3A_97 = arith.constant 0 : i32
      %dma_start3A_98 = arith.constant 0 : i32
      %dma_start3A_99 = tpu.memref_slice %arg6[%dma_start3A_96, %dma_start3A_97, %dma_start3A_98] : memref<2x32x128xf32, #tpu.memory_space<vmem>> -> memref<1x32x128xf32, #tpu.memory_space<vmem>>
      %dma_start3A_100 = tpu.memref_squeeze %dma_start3A_99 : memref<1x32x128xf32, #tpu.memory_space<vmem>> -> memref<32x128xf32, #tpu.memory_space<vmem>>
      %dma_start3A_101 = arith.constant 0 : i32
      %dma_start3A_102 = tpu.memref_slice %arg4[%mul3A_95, %dma_start3A_101] : memref<250000x128xf32, #tpu.memory_space<hbm>> -> memref<32x128xf32, #tpu.memory_space<hbm>>
      %dma_start3A_103 = arith.constant 0 : i32
      %dma_start3A_104 = tpu.memref_slice %arg4[%mul3A_95, %dma_start3A_103] : memref<250000x128xf32, #tpu.memory_space<hbm>> -> memref<32x128xf32, #tpu.memory_space<hbm>>
      %dma_start3A_105 = arith.constant 0 : i32
      %dma_start3A_106 = arith.constant 0 : i32
      %dma_start3A_107 = tpu.memref_slice %arg6[%dma_start3A_96, %dma_start3A_105, %dma_start3A_106] : memref<2x32x128xf32, #tpu.memory_space<vmem>> -> memref<1x32x128xf32, #tpu.memory_space<vmem>>
      %dma_start3A_108 = tpu.memref_squeeze %dma_start3A_107 : memref<1x32x128xf32, #tpu.memory_space<vmem>> -> memref<32x128xf32, #tpu.memory_space<vmem>>
      tpu.enqueue_dma source(%dma_start3A_108 : memref<32x128xf32, #tpu.memory_space<vmem>>) target(%dma_start3A_104 : memref<32x128xf32, #tpu.memory_space<hbm>>) target_semaphore(%arg9 : memref<!tpu.dma_semaphore, #tpu.memory_space<semaphore_mem>>)
      %mul3A_109 = arith.constant 2 : i32
      %mul3A_110 = arith.muli %scan3A_57, %mul3A_109 : i32
      %add3A_111 = arith.constant 1 : i32
      %add3A_112 = arith.addi %mul3A_110, %add3A_111 : i32
      %add3A_113 = arith.constant 1 : i32
      %add3A_114 = arith.addi %add3A_112, %add3A_113 : i32
      %lt3A_115 = arith.constant 244 : i32
      %lt3A_116 = arith.cmpi slt, %add3A_114, %lt3A_115 : i32
      %convert_element_type3A_117 = arith.extui %lt3A_116 : i1 to i32
      %cond3A_118 = arith.constant 0 : i32
      %cond3A_119 = arith.cmpi ne, %convert_element_type3A_117, %cond3A_118 : i32
      scf.if %cond3A_119 {
        %add3A_163 = arith.constant 1 : i32
        %add3A_164 = arith.addi %add3A_112, %add3A_163 : i32
        %mul3A_165 = arith.constant 32 : i32
        %mul3A_166 = arith.muli %add3A_164, %mul3A_165 : i32
        %add3A_167 = arith.addi %add3A, %mul3A_166 : i32
        %mul3A_168 = arith.constant 128 : i32
        %mul3A_169 = arith.muli %add3A_167, %mul3A_168 : i32
        %dma_start3A_170 = arith.constant 0 : i32
        %dma_start3A_171 = arith.constant 0 : i32
        %dma_start3A_172 = arith.constant 0 : i32
        %dma_start3A_173 = tpu.memref_slice %arg5[%dma_start3A_170, %dma_start3A_171, %dma_start3A_172] : memref<2x32x128xf32, #tpu.memory_space<vmem>> -> memref<1x32x128xf32, #tpu.memory_space<vmem>>
        %dma_start3A_174 = tpu.memref_squeeze %dma_start3A_173 : memref<1x32x128xf32, #tpu.memory_space<vmem>> -> memref<32x128xf32, #tpu.memory_space<vmem>>
        %dma_start3A_175 = arith.constant 0 : i32
        %dma_start3A_176 = tpu.memref_slice %arg2[%dma_start3A_175, %mul3A_169] : memref<32x1000000xf32, #tpu.memory_space<hbm>> -> memref<32x128xf32, #tpu.memory_space<hbm>>
        %dma_start3A_177 = arith.constant 0 : i32
        %dma_start3A_178 = arith.constant 0 : i32
        %dma_start3A_179 = tpu.memref_slice %arg5[%dma_start3A_170, %dma_start3A_177, %dma_start3A_178] : memref<2x32x128xf32, #tpu.memory_space<vmem>> -> memref<1x32x128xf32, #tpu.memory_space<vmem>>
        %dma_start3A_180 = tpu.memref_squeeze %dma_start3A_179 : memref<1x32x128xf32, #tpu.memory_space<vmem>> -> memref<32x128xf32, #tpu.memory_space<vmem>>
        %dma_start3A_181 = arith.constant 0 : i32
        %dma_start3A_182 = tpu.memref_slice %arg2[%dma_start3A_181, %mul3A_169] : memref<32x1000000xf32, #tpu.memory_space<hbm>> -> memref<32x128xf32, #tpu.memory_space<hbm>>
        tpu.enqueue_dma source(%dma_start3A_182 : memref<32x128xf32, #tpu.memory_space<hbm>>) target(%dma_start3A_180 : memref<32x128xf32, #tpu.memory_space<vmem>>) target_semaphore(%arg7 : memref<!tpu.dma_semaphore, #tpu.memory_space<semaphore_mem>>)
      } else {
      }
      %dma_wait3A_120 = arith.constant 1 : i32
      %dma_wait3A_121 = arith.constant 0 : i32
      %dma_wait3A_122 = arith.constant 0 : i32
      %dma_wait3A_123 = tpu.memref_slice %arg5[%dma_wait3A_120, %dma_wait3A_121, %dma_wait3A_122] : memref<2x32x128xf32, #tpu.memory_space<vmem>> -> memref<1x32x128xf32, #tpu.memory_space<vmem>>
      %dma_wait3A_124 = tpu.memref_squeeze %dma_wait3A_123 : memref<1x32x128xf32, #tpu.memory_space<vmem>> -> memref<32x128xf32, #tpu.memory_space<vmem>>
      %dma_wait3A_125 = arith.constant 0 : i32
      %dma_wait3A_126 = arith.constant 0 : i32
      %dma_wait3A_127 = tpu.memref_slice %arg2[%dma_wait3A_125, %dma_wait3A_126] : memref<32x1000000xf32, #tpu.memory_space<hbm>> -> memref<32x128xf32, #tpu.memory_space<hbm>>
      %dma_wait3A_128 = arith.constant 0 : i32
      %dma_wait3A_129 = arith.constant 0 : i32
      %dma_wait3A_130 = tpu.memref_slice %arg5[%dma_wait3A_120, %dma_wait3A_128, %dma_wait3A_129] : memref<2x32x128xf32, #tpu.memory_space<vmem>> -> memref<1x32x128xf32, #tpu.memory_space<vmem>>
      %dma_wait3A_131 = tpu.memref_squeeze %dma_wait3A_130 : memref<1x32x128xf32, #tpu.memory_space<vmem>> -> memref<32x128xf32, #tpu.memory_space<vmem>>
      %dma_wait3A_132 = arith.constant 0 : i32
      %dma_wait3A_133 = arith.constant 0 : i32
      %dma_wait3A_134 = tpu.memref_slice %arg2[%dma_wait3A_132, %dma_wait3A_133] : memref<32x1000000xf32, #tpu.memory_space<hbm>> -> memref<32x128xf32, #tpu.memory_space<hbm>>
      tpu.wait_dma2 semaphore(%arg8 : memref<!tpu.dma_semaphore, #tpu.memory_space<semaphore_mem>>) src(%dma_wait3A_134 : memref<32x128xf32, #tpu.memory_space<hbm>>) dst(%dma_wait3A_131 : memref<32x128xf32, #tpu.memory_space<vmem>>)
      %ge3A_135 = arith.constant 2 : i32
      %ge3A_136 = arith.cmpi sge, %add3A_112, %ge3A_135 : i32
      %convert_element_type3A_137 = arith.extui %ge3A_136 : i1 to i32
      %cond3A_138 = arith.constant 0 : i32
      %cond3A_139 = arith.cmpi ne, %convert_element_type3A_137, %cond3A_138 : i32
      scf.if %cond3A_139 {
        %dma_wait3A_163 = arith.constant 1 : i32
        %dma_wait3A_164 = arith.constant 0 : i32
        %dma_wait3A_165 = arith.constant 0 : i32
        %dma_wait3A_166 = tpu.memref_slice %arg6[%dma_wait3A_163, %dma_wait3A_164, %dma_wait3A_165] : memref<2x32x128xf32, #tpu.memory_space<vmem>> -> memref<1x32x128xf32, #tpu.memory_space<vmem>>
        %dma_wait3A_167 = tpu.memref_squeeze %dma_wait3A_166 : memref<1x32x128xf32, #tpu.memory_space<vmem>> -> memref<32x128xf32, #tpu.memory_space<vmem>>
        %dma_wait3A_168 = arith.constant 0 : i32
        %dma_wait3A_169 = arith.constant 0 : i32
        %dma_wait3A_170 = tpu.memref_slice %arg4[%dma_wait3A_168, %dma_wait3A_169] : memref<250000x128xf32, #tpu.memory_space<hbm>> -> memref<32x128xf32, #tpu.memory_space<hbm>>
        %dma_wait3A_171 = arith.constant 0 : i32
        %dma_wait3A_172 = arith.constant 0 : i32
        %dma_wait3A_173 = tpu.memref_slice %arg4[%dma_wait3A_171, %dma_wait3A_172] : memref<250000x128xf32, #tpu.memory_space<hbm>> -> memref<32x128xf32, #tpu.memory_space<hbm>>
        %dma_wait3A_174 = arith.constant 0 : i32
        %dma_wait3A_175 = arith.constant 0 : i32
        %dma_wait3A_176 = tpu.memref_slice %arg6[%dma_wait3A_163, %dma_wait3A_174, %dma_wait3A_175] : memref<2x32x128xf32, #tpu.memory_space<vmem>> -> memref<1x32x128xf32, #tpu.memory_space<vmem>>
        %dma_wait3A_177 = tpu.memref_squeeze %dma_wait3A_176 : memref<1x32x128xf32, #tpu.memory_space<vmem>> -> memref<32x128xf32, #tpu.memory_space<vmem>>
        tpu.wait_dma2 semaphore(%arg10 : memref<!tpu.dma_semaphore, #tpu.memory_space<semaphore_mem>>) src(%dma_wait3A_177 : memref<32x128xf32, #tpu.memory_space<vmem>>) dst(%dma_wait3A_173 : memref<32x128xf32, #tpu.memory_space<hbm>>)
      } else {
      }
      %parallel_loop3A_140 = arith.constant 0 : i32
      %parallel_loop3A_141 = arith.constant 256 : i32
      %parallel_loop3A_142 = arith.constant 1 : i32
      %parallel_loop3A_143 = arith.constant 1 : i32
      %parallel_loop3A_144 = arith.constant 1 : i32
      scf.for %parallel_loop3A_163 = %parallel_loop3A_140 to %parallel_loop3A_141 step %parallel_loop3A_142  : i32 {
        %parallel_loop3A_164 = arith.constant 3 : i32
        %parallel_loop3A_165 = arith.shrsi %parallel_loop3A_163, %parallel_loop3A_164 : i32
        %parallel_loop3A_166 = arith.constant 7 : i32
        %parallel_loop3A_167 = arith.andi %parallel_loop3A_163, %parallel_loop3A_166 : i32
        %parallel_loop3A_168 = arith.constant 1 : i32
        %parallel_loop3A_169 = arith.andi %parallel_loop3A_167, %parallel_loop3A_168 : i32
        %parallel_loop3A_170 = arith.constant 16 : i32
        %parallel_loop3A_171 = arith.muli %parallel_loop3A_169, %parallel_loop3A_170 : i32
        %parallel_loop3A_172 = vector.broadcast %parallel_loop3A_171 : i32 to vector<16xi32>
        %parallel_loop3A_173 = arith.addi %iota3A, %parallel_loop3A_172 : vector<16xi32>
        %parallel_loop3A_174 = arith.constant 0 : i32
        %parallel_loop3A_175 = vector.broadcast %parallel_loop3A_174 : i32 to vector<16xi32>
        %parallel_loop3A_176 = arith.constant 4 : i32
        %parallel_loop3A_177 = arith.muli %parallel_loop3A_165, %parallel_loop3A_176 : i32
        %parallel_loop3A_178 = arith.constant 1 : i32
        %parallel_loop3A_179 = arith.shrsi %parallel_loop3A_167, %parallel_loop3A_178 : i32
        %parallel_loop3A_180 = arith.addi %parallel_loop3A_177, %parallel_loop3A_179 : i32
        %parallel_loop3A_181 = vector.broadcast %parallel_loop3A_180 : i32 to vector<16xi32>
        %parallel_loop3A_182 = arith.addi %parallel_loop3A_175, %parallel_loop3A_181 : vector<16xi32>
        %parallel_loop3A_183 = arith.constant 0 : i32
        %parallel_loop3A_184 = arith.constant 0 : i32
        %parallel_loop3A_185 = tpu.memref_slice %arg5[%parallel_loop3A_143, %parallel_loop3A_183, %parallel_loop3A_184] : memref<2x32x128xf32, #tpu.memory_space<vmem>> -> memref<1x32x128xf32, #tpu.memory_space<vmem>>
        %parallel_loop3A_186 = tpu.memref_squeeze %parallel_loop3A_185 : memref<1x32x128xf32, #tpu.memory_space<vmem>> -> memref<32x128xf32, #tpu.memory_space<vmem>>
        %parallel_loop3A_187 = tpu.vector_load_idx %parallel_loop3A_186[%parallel_loop3A_173, %parallel_loop3A_182] : memref<32x128xf32, #tpu.memory_space<vmem>>[vector<16xi32>, vector<16xi32>], vector<16xf32>,
        %parallel_loop3A_188 = arith.constant 16 : i32
        %parallel_loop3A_189 = arith.muli %parallel_loop3A_167, %parallel_loop3A_188 : i32
        %parallel_loop3A_190 = arith.constant 0 : i32
        %parallel_loop3A_191 = arith.constant 0 : i32
        %parallel_loop3A_192 = tpu.memref_slice %arg6[%parallel_loop3A_144, %parallel_loop3A_190, %parallel_loop3A_191] : memref<2x32x128xf32, #tpu.memory_space<vmem>> -> memref<1x32x128xf32, #tpu.memory_space<vmem>>
        %parallel_loop3A_193 = tpu.memref_squeeze %parallel_loop3A_192 : memref<1x32x128xf32, #tpu.memory_space<vmem>> -> memref<32x128xf32, #tpu.memory_space<vmem>>
        %parallel_loop3A_194 = arith.index_cast %parallel_loop3A_165 : i32 to index
        %parallel_loop3A_195 = arith.index_cast %parallel_loop3A_189 : i32 to index
        %parallel_loop3A_196 = tpu.vector_load %parallel_loop3A_193[%parallel_loop3A_194, %parallel_loop3A_195] {strides = array<i32>} : memref<32x128xf32, #tpu.memory_space<vmem>>, vector<16xf32>,
        tpu.vector_store %parallel_loop3A_193[%parallel_loop3A_194, %parallel_loop3A_195], %parallel_loop3A_187 {strides = array<i32>} : memref<32x128xf32, #tpu.memory_space<vmem>>, vector<16xf32>,
      } {sc.loop_unroll_factor = 8 : i64, sc.parallel_access}
      %mul3A_145 = arith.constant 32 : i32
      %mul3A_146 = arith.muli %add3A_112, %mul3A_145 : i32
      %add3A_147 = arith.addi %add3A, %mul3A_146 : i32
      %mul3A_148 = arith.constant 32 : i32
      %mul3A_149 = arith.muli %add3A_147, %mul3A_148 : i32
      %dma_start3A_150 = arith.constant 1 : i32
      %dma_start3A_151 = arith.constant 0 : i32
      %dma_start3A_152 = arith.constant 0 : i32
      %dma_start3A_153 = tpu.memref_slice %arg6[%dma_start3A_150, %dma_start3A_151, %dma_start3A_152] : memref<2x32x128xf32, #tpu.memory_space<vmem>> -> memref<1x32x128xf32, #tpu.memory_space<vmem>>
      %dma_start3A_154 = tpu.memref_squeeze %dma_start3A_153 : memref<1x32x128xf32, #tpu.memory_space<vmem>> -> memref<32x128xf32, #tpu.memory_space<vmem>>
      %dma_start3A_155 = arith.constant 0 : i32
      %dma_start3A_156 = tpu.memref_slice %arg4[%mul3A_149, %dma_start3A_155] : memref<250000x128xf32, #tpu.memory_space<hbm>> -> memref<32x128xf32, #tpu.memory_space<hbm>>
      %dma_start3A_157 = arith.constant 0 : i32
      %dma_start3A_158 = tpu.memref_slice %arg4[%mul3A_149, %dma_start3A_157] : memref<250000x128xf32, #tpu.memory_space<hbm>> -> memref<32x128xf32, #tpu.memory_space<hbm>>
      %dma_start3A_159 = arith.constant 0 : i32
      %dma_start3A_160 = arith.constant 0 : i32
      %dma_start3A_161 = tpu.memref_slice %arg6[%dma_start3A_150, %dma_start3A_159, %dma_start3A_160] : memref<2x32x128xf32, #tpu.memory_space<vmem>> -> memref<1x32x128xf32, #tpu.memory_space<vmem>>
      %dma_start3A_162 = tpu.memref_squeeze %dma_start3A_161 : memref<1x32x128xf32, #tpu.memory_space<vmem>> -> memref<32x128xf32, #tpu.memory_space<vmem>>
      tpu.enqueue_dma source(%dma_start3A_162 : memref<32x128xf32, #tpu.memory_space<vmem>>) target(%dma_start3A_158 : memref<32x128xf32, #tpu.memory_space<hbm>>) target_semaphore(%arg10 : memref<!tpu.dma_semaphore, #tpu.memory_space<semaphore_mem>>)
    }
    %scan3A_21 = arith.constant 122 : i32
    %dma_wait3A = arith.constant 0 : i32
    %dma_wait3A_22 = arith.constant 0 : i32
    %dma_wait3A_23 = arith.constant 0 : i32
    %dma_wait3A_24 = tpu.memref_slice %arg6[%dma_wait3A, %dma_wait3A_22, %dma_wait3A_23] : memref<2x32x128xf32, #tpu.memory_space<vmem>> -> memref<1x32x128xf32, #tpu.memory_space<vmem>>
    %dma_wait3A_25 = tpu.memref_squeeze %dma_wait3A_24 : memref<1x32x128xf32, #tpu.memory_space<vmem>> -> memref<32x128xf32, #tpu.memory_space<vmem>>
    %dma_wait3A_26 = arith.constant 0 : i32
    %dma_wait3A_27 = arith.constant 0 : i32
    %dma_wait3A_28 = tpu.memref_slice %arg4[%dma_wait3A_26, %dma_wait3A_27] : memref<250000x128xf32, #tpu.memory_space<hbm>> -> memref<32x128xf32, #tpu.memory_space<hbm>>
    %dma_wait3A_29 = arith.constant 0 : i32
    %dma_wait3A_30 = arith.constant 0 : i32
    %dma_wait3A_31 = tpu.memref_slice %arg4[%dma_wait3A_29, %dma_wait3A_30] : memref<250000x128xf32, #tpu.memory_space<hbm>> -> memref<32x128xf32, #tpu.memory_space<hbm>>
    %dma_wait3A_32 = arith.constant 0 : i32
    %dma_wait3A_33 = arith.constant 0 : i32
    %dma_wait3A_34 = tpu.memref_slice %arg6[%dma_wait3A, %dma_wait3A_32, %dma_wait3A_33] : memref<2x32x128xf32, #tpu.memory_space<vmem>> -> memref<1x32x128xf32, #tpu.memory_space<vmem>>
    %dma_wait3A_35 = tpu.memref_squeeze %dma_wait3A_34 : memref<1x32x128xf32, #tpu.memory_space<vmem>> -> memref<32x128xf32, #tpu.memory_space<vmem>>
    tpu.wait_dma2 semaphore(%arg9 : memref<!tpu.dma_semaphore, #tpu.memory_space<semaphore_mem>>) src(%dma_wait3A_35 : memref<32x128xf32, #tpu.memory_space<vmem>>) dst(%dma_wait3A_31 : memref<32x128xf32, #tpu.memory_space<hbm>>)
    %dma_wait3A_36 = arith.constant 1 : i32
    %dma_wait3A_37 = arith.constant 0 : i32
    %dma_wait3A_38 = arith.constant 0 : i32
    %dma_wait3A_39 = tpu.memref_slice %arg6[%dma_wait3A_36, %dma_wait3A_37, %dma_wait3A_38] : memref<2x32x128xf32, #tpu.memory_space<vmem>> -> memref<1x32x128xf32, #tpu.memory_space<vmem>>
    %dma_wait3A_40 = tpu.memref_squeeze %dma_wait3A_39 : memref<1x32x128xf32, #tpu.memory_space<vmem>> -> memref<32x128xf32, #tpu.memory_space<vmem>>
    %dma_wait3A_41 = arith.constant 0 : i32
    %dma_wait3A_42 = arith.constant 0 : i32
    %dma_wait3A_43 = tpu.memref_slice %arg4[%dma_wait3A_41, %dma_wait3A_42] : memref<250000x128xf32, #tpu.memory_space<hbm>> -> memref<32x128xf32, #tpu.memory_space<hbm>>
    %dma_wait3A_44 = arith.constant 0 : i32
    %dma_wait3A_45 = arith.constant 0 : i32
    %dma_wait3A_46 = tpu.memref_slice %arg4[%dma_wait3A_44, %dma_wait3A_45] : memref<250000x128xf32, #tpu.memory_space<hbm>> -> memref<32x128xf32, #tpu.memory_space<hbm>>
    %dma_wait3A_47 = arith.constant 0 : i32
    %dma_wait3A_48 = arith.constant 0 : i32
    %dma_wait3A_49 = tpu.memref_slice %arg6[%dma_wait3A_36, %dma_wait3A_47, %dma_wait3A_48] : memref<2x32x128xf32, #tpu.memory_space<vmem>> -> memref<1x32x128xf32, #tpu.memory_space<vmem>>
    %dma_wait3A_50 = tpu.memref_squeeze %dma_wait3A_49 : memref<1x32x128xf32, #tpu.memory_space<vmem>> -> memref<32x128xf32, #tpu.memory_space<vmem>>
    tpu.wait_dma2 semaphore(%arg10 : memref<!tpu.dma_semaphore, #tpu.memory_space<semaphore_mem>>) src(%dma_wait3A_50 : memref<32x128xf32, #tpu.memory_space<vmem>>) dst(%dma_wait3A_46 : memref<32x128xf32, #tpu.memory_space<hbm>>)
    %le3A = arith.constant 3 : i32
    %le3A_51 = arith.cmpi sle, %add3A, %le3A : i32
    %convert_element_type3A = arith.extui %le3A_51 : i1 to i32
    %cond3A = arith.constant 0 : i32
    %cond3A_52 = arith.cmpi ne, %convert_element_type3A, %cond3A : i32
    scf.if %cond3A_52 {
      %add3A_57 = arith.constant 7808 : i32
      %add3A_58 = arith.addi %add3A, %add3A_57 : i32
      %mul3A_59 = arith.constant 128 : i32
      %mul3A_60 = arith.muli %add3A_58, %mul3A_59 : i32
      %run_scoped3A = arith.constant 0 : i32
      "tpu.region"() ({
        %run_scoped3A_70 = tpu.sem_alloc : memref<!tpu.dma_semaphore, #tpu.memory_space<semaphore_mem>>
        %dma_start3A_71 = arith.constant 0 : i32
        %dma_start3A_72 = arith.constant 0 : i32
        %dma_start3A_73 = tpu.memref_slice %arg5[%run_scoped3A, %dma_start3A_71, %dma_start3A_72] : memref<2x32x128xf32, #tpu.memory_space<vmem>> -> memref<1x32x128xf32, #tpu.memory_space<vmem>>
        %dma_start3A_74 = tpu.memref_squeeze %dma_start3A_73 : memref<1x32x128xf32, #tpu.memory_space<vmem>> -> memref<32x128xf32, #tpu.memory_space<vmem>>
        %dma_start3A_75 = arith.constant 0 : i32
        %dma_start3A_76 = tpu.memref_slice %arg2[%dma_start3A_75, %mul3A_60] : memref<32x1000000xf32, #tpu.memory_space<hbm>> -> memref<32x128xf32, #tpu.memory_space<hbm>>
        %dma_start3A_77 = arith.constant 0 : i32
        %dma_start3A_78 = arith.constant 0 : i32
        %dma_start3A_79 = tpu.memref_slice %arg5[%run_scoped3A, %dma_start3A_77, %dma_start3A_78] : memref<2x32x128xf32, #tpu.memory_space<vmem>> -> memref<1x32x128xf32, #tpu.memory_space<vmem>>
        %dma_start3A_80 = tpu.memref_squeeze %dma_start3A_79 : memref<1x32x128xf32, #tpu.memory_space<vmem>> -> memref<32x128xf32, #tpu.memory_space<vmem>>
        %dma_start3A_81 = arith.constant 0 : i32
        %dma_start3A_82 = tpu.memref_slice %arg2[%dma_start3A_81, %mul3A_60] : memref<32x1000000xf32, #tpu.memory_space<hbm>> -> memref<32x128xf32, #tpu.memory_space<hbm>>
        tpu.enqueue_dma source(%dma_start3A_82 : memref<32x128xf32, #tpu.memory_space<hbm>>) target(%dma_start3A_80 : memref<32x128xf32, #tpu.memory_space<vmem>>) target_semaphore(%run_scoped3A_70 : memref<!tpu.dma_semaphore, #tpu.memory_space<semaphore_mem>>)
        %dma_wait3A_83 = arith.constant 0 : i32
        %dma_wait3A_84 = arith.constant 0 : i32
        %dma_wait3A_85 = tpu.memref_slice %arg5[%run_scoped3A, %dma_wait3A_83, %dma_wait3A_84] : memref<2x32x128xf32, #tpu.memory_space<vmem>> -> memref<1x32x128xf32, #tpu.memory_space<vmem>>
        %dma_wait3A_86 = tpu.memref_squeeze %dma_wait3A_85 : memref<1x32x128xf32, #tpu.memory_space<vmem>> -> memref<32x128xf32, #tpu.memory_space<vmem>>
        %dma_wait3A_87 = arith.constant 0 : i32
        %dma_wait3A_88 = tpu.memref_slice %arg2[%dma_wait3A_87, %mul3A_60] : memref<32x1000000xf32, #tpu.memory_space<hbm>> -> memref<32x128xf32, #tpu.memory_space<hbm>>
        %dma_wait3A_89 = arith.constant 0 : i32
        %dma_wait3A_90 = arith.constant 0 : i32
        %dma_wait3A_91 = tpu.memref_slice %arg5[%run_scoped3A, %dma_wait3A_89, %dma_wait3A_90] : memref<2x32x128xf32, #tpu.memory_space<vmem>> -> memref<1x32x128xf32, #tpu.memory_space<vmem>>
        %dma_wait3A_92 = tpu.memref_squeeze %dma_wait3A_91 : memref<1x32x128xf32, #tpu.memory_space<vmem>> -> memref<32x128xf32, #tpu.memory_space<vmem>>
        %dma_wait3A_93 = arith.constant 0 : i32
        %dma_wait3A_94 = tpu.memref_slice %arg2[%dma_wait3A_93, %mul3A_60] : memref<32x1000000xf32, #tpu.memory_space<hbm>> -> memref<32x128xf32, #tpu.memory_space<hbm>>
        tpu.wait_dma2 semaphore(%run_scoped3A_70 : memref<!tpu.dma_semaphore, #tpu.memory_space<semaphore_mem>>) src(%dma_wait3A_94 : memref<32x128xf32, #tpu.memory_space<hbm>>) dst(%dma_wait3A_92 : memref<32x128xf32, #tpu.memory_space<vmem>>)
        tpu.yield
      }) : () -> ()
      %parallel_loop3A = arith.constant 0 : i32
      %parallel_loop3A_61 = arith.constant 256 : i32
      %parallel_loop3A_62 = arith.constant 1 : i32
      %parallel_loop3A_63 = arith.constant 0 : i32
      %parallel_loop3A_64 = arith.constant 0 : i32
      scf.for %parallel_loop3A_70 = %parallel_loop3A to %parallel_loop3A_61 step %parallel_loop3A_62  : i32 {
        %parallel_loop3A_71 = arith.constant 3 : i32
        %parallel_loop3A_72 = arith.shrsi %parallel_loop3A_70, %parallel_loop3A_71 : i32
        %parallel_loop3A_73 = arith.constant 7 : i32
        %parallel_loop3A_74 = arith.andi %parallel_loop3A_70, %parallel_loop3A_73 : i32
        %parallel_loop3A_75 = arith.constant 1 : i32
        %parallel_loop3A_76 = arith.andi %parallel_loop3A_74, %parallel_loop3A_75 : i32
        %parallel_loop3A_77 = arith.constant 16 : i32
        %parallel_loop3A_78 = arith.muli %parallel_loop3A_76, %parallel_loop3A_77 : i32
        %parallel_loop3A_79 = vector.broadcast %parallel_loop3A_78 : i32 to vector<16xi32>
        %parallel_loop3A_80 = arith.addi %iota3A, %parallel_loop3A_79 : vector<16xi32>
        %parallel_loop3A_81 = arith.constant 0 : i32
        %parallel_loop3A_82 = vector.broadcast %parallel_loop3A_81 : i32 to vector<16xi32>
        %parallel_loop3A_83 = arith.constant 4 : i32
        %parallel_loop3A_84 = arith.muli %parallel_loop3A_72, %parallel_loop3A_83 : i32
        %parallel_loop3A_85 = arith.constant 1 : i32
        %parallel_loop3A_86 = arith.shrsi %parallel_loop3A_74, %parallel_loop3A_85 : i32
        %parallel_loop3A_87 = arith.addi %parallel_loop3A_84, %parallel_loop3A_86 : i32
        %parallel_loop3A_88 = vector.broadcast %parallel_loop3A_87 : i32 to vector<16xi32>
        %parallel_loop3A_89 = arith.addi %parallel_loop3A_82, %parallel_loop3A_88 : vector<16xi32>
        %parallel_loop3A_90 = arith.constant 0 : i32
        %parallel_loop3A_91 = arith.constant 0 : i32
        %parallel_loop3A_92 = tpu.memref_slice %arg5[%parallel_loop3A_63, %parallel_loop3A_90, %parallel_loop3A_91] : memref<2x32x128xf32, #tpu.memory_space<vmem>> -> memref<1x32x128xf32, #tpu.memory_space<vmem>>
        %parallel_loop3A_93 = tpu.memref_squeeze %parallel_loop3A_92 : memref<1x32x128xf32, #tpu.memory_space<vmem>> -> memref<32x128xf32, #tpu.memory_space<vmem>>
        %parallel_loop3A_94 = tpu.vector_load_idx %parallel_loop3A_93[%parallel_loop3A_80, %parallel_loop3A_89] : memref<32x128xf32, #tpu.memory_space<vmem>>[vector<16xi32>, vector<16xi32>], vector<16xf32>,
        %parallel_loop3A_95 = arith.constant 16 : i32
        %parallel_loop3A_96 = arith.muli %parallel_loop3A_74, %parallel_loop3A_95 : i32
        %parallel_loop3A_97 = arith.constant 0 : i32
        %parallel_loop3A_98 = arith.constant 0 : i32
        %parallel_loop3A_99 = tpu.memref_slice %arg6[%parallel_loop3A_64, %parallel_loop3A_97, %parallel_loop3A_98] : memref<2x32x128xf32, #tpu.memory_space<vmem>> -> memref<1x32x128xf32, #tpu.memory_space<vmem>>
        %parallel_loop3A_100 = tpu.memref_squeeze %parallel_loop3A_99 : memref<1x32x128xf32, #tpu.memory_space<vmem>> -> memref<32x128xf32, #tpu.memory_space<vmem>>
        %parallel_loop3A_101 = arith.index_cast %parallel_loop3A_72 : i32 to index
        %parallel_loop3A_102 = arith.index_cast %parallel_loop3A_96 : i32 to index
        %parallel_loop3A_103 = tpu.vector_load %parallel_loop3A_100[%parallel_loop3A_101, %parallel_loop3A_102] {strides = array<i32>} : memref<32x128xf32, #tpu.memory_space<vmem>>, vector<16xf32>,
        tpu.vector_store %parallel_loop3A_100[%parallel_loop3A_101, %parallel_loop3A_102], %parallel_loop3A_94 {strides = array<i32>} : memref<32x128xf32, #tpu.memory_space<vmem>>, vector<16xf32>,
      } {sc.loop_unroll_factor = 8 : i64, sc.parallel_access}
      %add3A_65 = arith.constant 7808 : i32
      %add3A_66 = arith.addi %add3A, %add3A_65 : i32
      %mul3A_67 = arith.constant 32 : i32
      %mul3A_68 = arith.muli %add3A_66, %mul3A_67 : i32
      %run_scoped3A_69 = arith.constant 0 : i32
      "tpu.region"() ({
        %run_scoped3A_70 = tpu.sem_alloc : memref<!tpu.dma_semaphore, #tpu.memory_space<semaphore_mem>>
        %dma_start3A_71 = arith.constant 0 : i32
        %dma_start3A_72 = arith.constant 0 : i32
        %dma_start3A_73 = tpu.memref_slice %arg6[%run_scoped3A_69, %dma_start3A_71, %dma_start3A_72] : memref<2x32x128xf32, #tpu.memory_space<vmem>> -> memref<1x32x128xf32, #tpu.memory_space<vmem>>
        %dma_start3A_74 = tpu.memref_squeeze %dma_start3A_73 : memref<1x32x128xf32, #tpu.memory_space<vmem>> -> memref<32x128xf32, #tpu.memory_space<vmem>>
        %dma_start3A_75 = arith.constant 0 : i32
        %dma_start3A_76 = tpu.memref_slice %arg4[%mul3A_68, %dma_start3A_75] : memref<250000x128xf32, #tpu.memory_space<hbm>> -> memref<32x128xf32, #tpu.memory_space<hbm>>
        %dma_start3A_77 = arith.constant 0 : i32
        %dma_start3A_78 = tpu.memref_slice %arg4[%mul3A_68, %dma_start3A_77] : memref<250000x128xf32, #tpu.memory_space<hbm>> -> memref<32x128xf32, #tpu.memory_space<hbm>>
        %dma_start3A_79 = arith.constant 0 : i32
        %dma_start3A_80 = arith.constant 0 : i32
        %dma_start3A_81 = tpu.memref_slice %arg6[%run_scoped3A_69, %dma_start3A_79, %dma_start3A_80] : memref<2x32x128xf32, #tpu.memory_space<vmem>> -> memref<1x32x128xf32, #tpu.memory_space<vmem>>
        %dma_start3A_82 = tpu.memref_squeeze %dma_start3A_81 : memref<1x32x128xf32, #tpu.memory_space<vmem>> -> memref<32x128xf32, #tpu.memory_space<vmem>>
        tpu.enqueue_dma source(%dma_start3A_82 : memref<32x128xf32, #tpu.memory_space<vmem>>) target(%dma_start3A_78 : memref<32x128xf32, #tpu.memory_space<hbm>>) target_semaphore(%run_scoped3A_70 : memref<!tpu.dma_semaphore, #tpu.memory_space<semaphore_mem>>)
        %dma_wait3A_83 = arith.constant 0 : i32
        %dma_wait3A_84 = arith.constant 0 : i32
        %dma_wait3A_85 = tpu.memref_slice %arg6[%run_scoped3A_69, %dma_wait3A_83, %dma_wait3A_84] : memref<2x32x128xf32, #tpu.memory_space<vmem>> -> memref<1x32x128xf32, #tpu.memory_space<vmem>>
        %dma_wait3A_86 = tpu.memref_squeeze %dma_wait3A_85 : memref<1x32x128xf32, #tpu.memory_space<vmem>> -> memref<32x128xf32, #tpu.memory_space<vmem>>
        %dma_wait3A_87 = arith.constant 0 : i32
        %dma_wait3A_88 = tpu.memref_slice %arg4[%mul3A_68, %dma_wait3A_87] : memref<250000x128xf32, #tpu.memory_space<hbm>> -> memref<32x128xf32, #tpu.memory_space<hbm>>
        %dma_wait3A_89 = arith.constant 0 : i32
        %dma_wait3A_90 = tpu.memref_slice %arg4[%mul3A_68, %dma_wait3A_89] : memref<250000x128xf32, #tpu.memory_space<hbm>> -> memref<32x128xf32, #tpu.memory_space<hbm>>
        %dma_wait3A_91 = arith.constant 0 : i32
        %dma_wait3A_92 = arith.constant 0 : i32
        %dma_wait3A_93 = tpu.memref_slice %arg6[%run_scoped3A_69, %dma_wait3A_91, %dma_wait3A_92] : memref<2x32x128xf32, #tpu.memory_space<vmem>> -> memref<1x32x128xf32, #tpu.memory_space<vmem>>
        %dma_wait3A_94 = tpu.memref_squeeze %dma_wait3A_93 : memref<1x32x128xf32, #tpu.memory_space<vmem>> -> memref<32x128xf32, #tpu.memory_space<vmem>>
        tpu.wait_dma2 semaphore(%run_scoped3A_70 : memref<!tpu.dma_semaphore, #tpu.memory_space<semaphore_mem>>) src(%dma_wait3A_94 : memref<32x128xf32, #tpu.memory_space<vmem>>) dst(%dma_wait3A_90 : memref<32x128xf32, #tpu.memory_space<hbm>>)
        tpu.yield
      }) : () -> ()
    } else {
    }
    %eq3A = arith.constant 4 : i32
    %eq3A_53 = arith.cmpi eq, %add3A, %eq3A : i32
    %convert_element_type3A_54 = arith.extui %eq3A_53 : i1 to i32
    %cond3A_55 = arith.constant 0 : i32
    %cond3A_56 = arith.cmpi ne, %convert_element_type3A_54, %cond3A_55 : i32
    scf.if %cond3A_56 {
      %run_scoped3A = arith.constant 0 : i32
      "tpu.region"() ({
        %run_scoped3A_58 = tpu.sem_alloc : memref<!tpu.dma_semaphore, #tpu.memory_space<semaphore_mem>>
        %dma_start3A_59 = arith.constant 0 : i32
        %dma_start3A_60 = arith.constant 0 : i32
        %dma_start3A_61 = tpu.memref_slice %arg6[%run_scoped3A, %dma_start3A_59, %dma_start3A_60] : memref<2x32x128xf32, #tpu.memory_space<vmem>> -> memref<1x16x128xf32, #tpu.memory_space<vmem>>
        %dma_start3A_62 = tpu.memref_squeeze %dma_start3A_61 : memref<1x16x128xf32, #tpu.memory_space<vmem>> -> memref<16x128xf32, #tpu.memory_space<vmem>>
        %dma_start3A_63 = arith.constant 0 : i32
        %dma_start3A_64 = arith.constant 0 : i32
        %dma_start3A_65 = tpu.memref_slice %arg6[%run_scoped3A, %dma_start3A_63, %dma_start3A_64] : memref<2x32x128xf32, #tpu.memory_space<vmem>> -> memref<1x16x128xf32, #tpu.memory_space<vmem>>
        %dma_start3A_66 = tpu.memref_squeeze %dma_start3A_65 : memref<1x16x128xf32, #tpu.memory_space<vmem>> -> memref<16x128xf32, #tpu.memory_space<vmem>>
        tpu.enqueue_dma source(%arg3 : memref<16x128xf32, #tpu.memory_space<hbm>>) target(%dma_start3A_66 : memref<16x128xf32, #tpu.memory_space<vmem>>) target_semaphore(%run_scoped3A_58 : memref<!tpu.dma_semaphore, #tpu.memory_space<semaphore_mem>>)
        %dma_wait3A_67 = arith.constant 0 : i32
        %dma_wait3A_68 = arith.constant 0 : i32
        %dma_wait3A_69 = tpu.memref_slice %arg6[%run_scoped3A, %dma_wait3A_67, %dma_wait3A_68] : memref<2x32x128xf32, #tpu.memory_space<vmem>> -> memref<1x16x128xf32, #tpu.memory_space<vmem>>
        %dma_wait3A_70 = tpu.memref_squeeze %dma_wait3A_69 : memref<1x16x128xf32, #tpu.memory_space<vmem>> -> memref<16x128xf32, #tpu.memory_space<vmem>>
        %dma_wait3A_71 = arith.constant 0 : i32
        %dma_wait3A_72 = arith.constant 0 : i32
        %dma_wait3A_73 = tpu.memref_slice %arg6[%run_scoped3A, %dma_wait3A_71, %dma_wait3A_72] : memref<2x32x128xf32, #tpu.memory_space<vmem>> -> memref<1x16x128xf32, #tpu.memory_space<vmem>>
        %dma_wait3A_74 = tpu.memref_squeeze %dma_wait3A_73 : memref<1x16x128xf32, #tpu.memory_space<vmem>> -> memref<16x128xf32, #tpu.memory_space<vmem>>
        tpu.wait_dma2 semaphore(%run_scoped3A_58 : memref<!tpu.dma_semaphore, #tpu.memory_space<semaphore_mem>>) src(%arg3 : memref<16x128xf32, #tpu.memory_space<hbm>>) dst(%dma_wait3A_74 : memref<16x128xf32, #tpu.memory_space<vmem>>)
        tpu.yield
      }) : () -> ()
      %run_scoped3A_57 = arith.constant 0 : i32
      "tpu.region"() ({
        %run_scoped3A_58 = tpu.sem_alloc : memref<!tpu.dma_semaphore, #tpu.memory_space<semaphore_mem>>
        %dma_start3A_59 = arith.constant 0 : i32
        %dma_start3A_60 = arith.constant 0 : i32
        %dma_start3A_61 = tpu.memref_slice %arg6[%run_scoped3A_57, %dma_start3A_59, %dma_start3A_60] : memref<2x32x128xf32, #tpu.memory_space<vmem>> -> memref<1x16x128xf32, #tpu.memory_space<vmem>>
        %dma_start3A_62 = tpu.memref_squeeze %dma_start3A_61 : memref<1x16x128xf32, #tpu.memory_space<vmem>> -> memref<16x128xf32, #tpu.memory_space<vmem>>
        %dma_start3A_63 = arith.constant 249984 : i32
        %dma_start3A_64 = arith.constant 0 : i32
        %dma_start3A_65 = tpu.memref_slice %arg4[%dma_start3A_63, %dma_start3A_64] : memref<250000x128xf32, #tpu.memory_space<hbm>> -> memref<16x128xf32, #tpu.memory_space<hbm>>
        %dma_start3A_66 = arith.constant 249984 : i32
        %dma_start3A_67 = arith.constant 0 : i32
        %dma_start3A_68 = tpu.memref_slice %arg4[%dma_start3A_66, %dma_start3A_67] : memref<250000x128xf32, #tpu.memory_space<hbm>> -> memref<16x128xf32, #tpu.memory_space<hbm>>
        %dma_start3A_69 = arith.constant 0 : i32
        %dma_start3A_70 = arith.constant 0 : i32
        %dma_start3A_71 = tpu.memref_slice %arg6[%run_scoped3A_57, %dma_start3A_69, %dma_start3A_70] : memref<2x32x128xf32, #tpu.memory_space<vmem>> -> memref<1x16x128xf32, #tpu.memory_space<vmem>>
        %dma_start3A_72 = tpu.memref_squeeze %dma_start3A_71 : memref<1x16x128xf32, #tpu.memory_space<vmem>> -> memref<16x128xf32, #tpu.memory_space<vmem>>
        tpu.enqueue_dma source(%dma_start3A_72 : memref<16x128xf32, #tpu.memory_space<vmem>>) target(%dma_start3A_68 : memref<16x128xf32, #tpu.memory_space<hbm>>) target_semaphore(%run_scoped3A_58 : memref<!tpu.dma_semaphore, #tpu.memory_space<semaphore_mem>>)
        %dma_wait3A_73 = arith.constant 0 : i32
        %dma_wait3A_74 = arith.constant 0 : i32
        %dma_wait3A_75 = tpu.memref_slice %arg6[%run_scoped3A_57, %dma_wait3A_73, %dma_wait3A_74] : memref<2x32x128xf32, #tpu.memory_space<vmem>> -> memref<1x16x128xf32, #tpu.memory_space<vmem>>
        %dma_wait3A_76 = tpu.memref_squeeze %dma_wait3A_75 : memref<1x16x128xf32, #tpu.memory_space<vmem>> -> memref<16x128xf32, #tpu.memory_space<vmem>>
        %dma_wait3A_77 = arith.constant 249984 : i32
        %dma_wait3A_78 = arith.constant 0 : i32
        %dma_wait3A_79 = tpu.memref_slice %arg4[%dma_wait3A_77, %dma_wait3A_78] : memref<250000x128xf32, #tpu.memory_space<hbm>> -> memref<16x128xf32, #tpu.memory_space<hbm>>
        %dma_wait3A_80 = arith.constant 249984 : i32
        %dma_wait3A_81 = arith.constant 0 : i32
        %dma_wait3A_82 = tpu.memref_slice %arg4[%dma_wait3A_80, %dma_wait3A_81] : memref<250000x128xf32, #tpu.memory_space<hbm>> -> memref<16x128xf32, #tpu.memory_space<hbm>>
        %dma_wait3A_83 = arith.constant 0 : i32
        %dma_wait3A_84 = arith.constant 0 : i32
        %dma_wait3A_85 = tpu.memref_slice %arg6[%run_scoped3A_57, %dma_wait3A_83, %dma_wait3A_84] : memref<2x32x128xf32, #tpu.memory_space<vmem>> -> memref<1x16x128xf32, #tpu.memory_space<vmem>>
        %dma_wait3A_86 = tpu.memref_squeeze %dma_wait3A_85 : memref<1x16x128xf32, #tpu.memory_space<vmem>> -> memref<16x128xf32, #tpu.memory_space<vmem>>
        tpu.wait_dma2 semaphore(%run_scoped3A_58 : memref<!tpu.dma_semaphore, #tpu.memory_space<semaphore_mem>>) src(%dma_wait3A_86 : memref<16x128xf32, #tpu.memory_space<vmem>>) dst(%dma_wait3A_82 : memref<16x128xf32, #tpu.memory_space<hbm>>)
        tpu.yield
      }) : () -> ()
    } else {
    }
    return
  }
}

#map = affine_map<(d0, d1) -> (0)>
#map1 = affine_map<(d0, d1) -> (0, 0)>
module attributes {stable_mosaic.version = 14 : i64} {
  func.func @_emb_body(%arg0: i32, %arg1: i32, %arg2: memref<327680xi32, #tpu.memory_space<hbm>>, %arg3: memref<1000000x32xf32, #tpu.memory_space<hbm>>, %arg4: memref<80x131072xf32, #tpu.memory_space<hbm>>, %arg5: memref<2560xi32, #tpu.memory_space<vmem>>, %arg6: memref<2560xi32, #tpu.memory_space<vmem>>, %arg7: memref<2x640x32xf32, #tpu.memory_space<vmem>>, %arg8: memref<2x20x1024xf32, #tpu.memory_space<vmem>>, %arg9: memref<!tpu.dma_semaphore, #tpu.memory_space<semaphore_mem>>, %arg10: memref<!tpu.dma_semaphore, #tpu.memory_space<semaphore_mem>>, %arg11: memref<!tpu.dma_semaphore, #tpu.memory_space<semaphore_mem>>, %arg12: memref<!tpu.dma_semaphore, #tpu.memory_space<semaphore_mem>>) attributes {dimension_semantics = [#tpu.dimension_semantics<core_parallel>, #tpu.dimension_semantics<subcore_parallel>], iteration_bounds = array<i64: 2, 16>, scalar_prefetch = 0 : i64, scratch_operands = 8 : i64, tpu.core_type = #tpu.core_type<sc_vector_subcore>, window_params = [{transform_indices = #map}, {transform_indices = #map1}, {transform_indices = #map1}]} {
    %mul3A = arith.constant 2 : i32
    %mul3A_0 = arith.muli %arg1, %mul3A : i32
    %add3A = arith.addi %mul3A_0, %arg0 : i32
    %iota3A = tpu.iota {dimensions = array<i32: 0>} : vector<16xi32>
    %mul3A_1 = arith.constant 20 : i32
    %mul3A_2 = vector.broadcast %mul3A_1 : i32 to vector<16xi32>
    %mul3A_3 = arith.muli %iota3A, %mul3A_2 : vector<16xi32>
    %jit3A = arith.constant 8 : i32
    %div3A = vector.broadcast %jit3A : i32 to vector<16xi32>
    %div3A_4 = arith.divsi %iota3A, %div3A : vector<16xi32>
    %sign3A = arith.constant 0 : i32
    %sign3A_5 = vector.broadcast %sign3A : i32 to vector<16xi32>
    %sign3A_6 = arith.cmpi sgt, %iota3A, %sign3A_5 : vector<16xi32>
    %sign3A_7 = arith.extui %sign3A_6 : vector<16xi1> to vector<16xi32>
    %sign3A_8 = arith.constant 0 : i32
    %sign3A_9 = vector.broadcast %sign3A_8 : i32 to vector<16xi32>
    %sign3A_10 = arith.cmpi slt, %iota3A, %sign3A_9 : vector<16xi32>
    %sign3A_11 = arith.extui %sign3A_10 : vector<16xi1> to vector<16xi32>
    %sign3A_12 = arith.subi %sign3A_7, %sign3A_11 : vector<16xi32>
    %sign3A_13 = arith.constant 0 : i32
    %sign3A_14 = arith.cmpi sgt, %jit3A, %sign3A_13 : i32
    %sign3A_15 = arith.extui %sign3A_14 : i1 to i32
    %sign3A_16 = arith.constant 0 : i32
    %sign3A_17 = arith.cmpi slt, %jit3A, %sign3A_16 : i32
    %sign3A_18 = arith.extui %sign3A_17 : i1 to i32
    %sign3A_19 = arith.subi %sign3A_15, %sign3A_18 : i32
    %ne3A = vector.broadcast %sign3A_19 : i32 to vector<16xi32>
    %ne3A_20 = arith.cmpi ne, %sign3A_12, %ne3A : vector<16xi32>
    %rem3A = vector.broadcast %jit3A : i32 to vector<16xi32>
    %rem3A_21 = arith.remsi %iota3A, %rem3A : vector<16xi32>
    %ne3A_22 = arith.constant 0 : i32
    %ne3A_23 = vector.broadcast %ne3A_22 : i32 to vector<16xi32>
    %ne3A_24 = arith.cmpi ne, %rem3A_21, %ne3A_23 : vector<16xi32>
    %and3A = arith.andi %ne3A_20, %ne3A_24 : vector<16xi1>
    %sub3A = arith.constant 1 : i32
    %sub3A_25 = vector.broadcast %sub3A : i32 to vector<16xi32>
    %sub3A_26 = arith.subi %div3A_4, %sub3A_25 : vector<16xi32>
    %select_n3A = arith.select %and3A, %sub3A_26, %div3A_4 : vector<16xi1>, vector<16xi32>
    %add3A_27 = arith.constant 2 : i32
    %add3A_28 = vector.broadcast %add3A_27 : i32 to vector<16xi32>
    %add3A_29 = arith.addi %select_n3A, %add3A_28 : vector<16xi32>
    %jit3A_30 = arith.constant 8 : i32
    %eq3A = arith.constant 0 : i32
    %eq3A_31 = arith.cmpi eq, %jit3A_30, %eq3A : i32
    %jit3A_32 = arith.constant 1 : i32
    %select_n3A_33 = arith.select %eq3A_31, %jit3A_32, %jit3A_30 : i32
    %rem3A_34 = vector.broadcast %select_n3A_33 : i32 to vector<16xi32>
    %rem3A_35 = arith.remsi %iota3A, %rem3A_34 : vector<16xi32>
    %ne3A_36 = arith.constant 0 : i32
    %ne3A_37 = vector.broadcast %ne3A_36 : i32 to vector<16xi32>
    %ne3A_38 = arith.cmpi ne, %rem3A_35, %ne3A_37 : vector<16xi32>
    %lt3A = arith.constant 0 : i32
    %lt3A_39 = vector.broadcast %lt3A : i32 to vector<16xi32>
    %lt3A_40 = arith.cmpi slt, %rem3A_35, %lt3A_39 : vector<16xi32>
    %lt3A_41 = arith.constant 0 : i32
    %lt3A_42 = arith.cmpi slt, %select_n3A_33, %lt3A_41 : i32
    %ne3A_43 = vector.broadcast %lt3A_42 : i1 to vector<16xi1>
    %ne3A_44 = vector.broadcast %ne3A_43 : vector<16xi1> to vector<16xi1>
    %ne3A_45 = arith.xori %lt3A_40, %ne3A_44 : vector<16xi1>
    %and3A_46 = arith.andi %ne3A_45, %ne3A_38 : vector<16xi1>
    %add3A_47 = vector.broadcast %select_n3A_33 : i32 to vector<16xi32>
    %add3A_48 = arith.addi %rem3A_35, %add3A_47 : vector<16xi32>
    %select_n3A_49 = arith.select %and3A_46, %add3A_48, %rem3A_35 : vector<16xi1>, vector<16xi32>
    %mul3A_50 = arith.constant 128 : i32
    %mul3A_51 = vector.broadcast %mul3A_50 : i32 to vector<16xi32>
    %mul3A_52 = arith.muli %select_n3A_49, %mul3A_51 : vector<16xi32>
    %scan3A = arith.constant 0 : i32
    %scan3A_53 = arith.constant 0 : i32
    %scan3A_54 = arith.constant 4 : i32
    %scan3A_55 = arith.addi %scan3A_53, %scan3A_54 : i32
    %scan3A_56 = arith.constant 1 : i32
    scf.for %scan3A_58 = %scan3A_53 to %scan3A_55 step %scan3A_56  : i32 {
      %mul3A_59 = arith.constant 512 : i32
      %mul3A_60 = arith.muli %add3A, %mul3A_59 : i32
      %mul3A_61 = arith.constant 128 : i32
      %mul3A_62 = arith.muli %scan3A_58, %mul3A_61 : i32
      %add3A_63 = arith.addi %mul3A_60, %mul3A_62 : i32
      %mul3A_64 = arith.constant 4 : i32
      %mul3A_65 = arith.muli %add3A, %mul3A_64 : i32
      %add3A_66 = arith.addi %mul3A_65, %scan3A_58 : i32
      %mul3A_67 = arith.constant 20 : i32
      %mul3A_68 = arith.muli %add3A_63, %mul3A_67 : i32
      "tpu.region"() ({
        %run_scoped3A = tpu.sem_alloc : memref<!tpu.dma_semaphore, #tpu.memory_space<semaphore_mem>>
        %dma_start3A_115 = tpu.memref_slice %arg2[%mul3A_68] : memref<327680xi32, #tpu.memory_space<hbm>> -> memref<2560xi32, #tpu.memory_space<hbm>>
        %dma_start3A_116 = tpu.memref_slice %arg2[%mul3A_68] : memref<327680xi32, #tpu.memory_space<hbm>> -> memref<2560xi32, #tpu.memory_space<hbm>>
        tpu.enqueue_dma source(%dma_start3A_116 : memref<2560xi32, #tpu.memory_space<hbm>>) target(%arg5 : memref<2560xi32, #tpu.memory_space<vmem>>) target_semaphore(%run_scoped3A : memref<!tpu.dma_semaphore, #tpu.memory_space<semaphore_mem>>)
        %dma_wait3A_117 = tpu.memref_slice %arg2[%mul3A_68] : memref<327680xi32, #tpu.memory_space<hbm>> -> memref<2560xi32, #tpu.memory_space<hbm>>
        %dma_wait3A_118 = tpu.memref_slice %arg2[%mul3A_68] : memref<327680xi32, #tpu.memory_space<hbm>> -> memref<2560xi32, #tpu.memory_space<hbm>>
        tpu.wait_dma2 semaphore(%run_scoped3A : memref<!tpu.dma_semaphore, #tpu.memory_space<semaphore_mem>>) src(%dma_wait3A_118 : memref<2560xi32, #tpu.memory_space<hbm>>) dst(%arg5 : memref<2560xi32, #tpu.memory_space<vmem>>)
        tpu.yield
      }) : () -> ()
      %parallel_loop3A = arith.constant 0 : i32
      %parallel_loop3A_69 = arith.constant 160 : i32
      %parallel_loop3A_70 = arith.constant 1 : i32
      scf.for %parallel_loop3A_115 = %parallel_loop3A to %parallel_loop3A_69 step %parallel_loop3A_70  : i32 {
        %parallel_loop3A_116 = arith.constant 3 : i32
        %parallel_loop3A_117 = arith.shrsi %parallel_loop3A_115, %parallel_loop3A_116 : i32
        %parallel_loop3A_118 = arith.constant 7 : i32
        %parallel_loop3A_119 = arith.andi %parallel_loop3A_115, %parallel_loop3A_118 : i32
        %parallel_loop3A_120 = arith.constant 16 : i32
        %parallel_loop3A_121 = arith.muli %parallel_loop3A_119, %parallel_loop3A_120 : i32
        %parallel_loop3A_122 = arith.constant 20 : i32
        %parallel_loop3A_123 = arith.muli %parallel_loop3A_121, %parallel_loop3A_122 : i32
        %parallel_loop3A_124 = arith.addi %parallel_loop3A_123, %parallel_loop3A_117 : i32
        %parallel_loop3A_125 = vector.broadcast %parallel_loop3A_124 : i32 to vector<16xi32>
        %parallel_loop3A_126 = arith.addi %mul3A_3, %parallel_loop3A_125 : vector<16xi32>
        %parallel_loop3A_127 = tpu.vector_load_idx %arg5[%parallel_loop3A_126] : memref<2560xi32, #tpu.memory_space<vmem>>[vector<16xi32>], vector<16xi32>,
        %parallel_loop3A_128 = arith.constant 128 : i32
        %parallel_loop3A_129 = arith.muli %parallel_loop3A_117, %parallel_loop3A_128 : i32
        %parallel_loop3A_130 = arith.constant 16 : i32
        %parallel_loop3A_131 = arith.muli %parallel_loop3A_119, %parallel_loop3A_130 : i32
        %parallel_loop3A_132 = arith.addi %parallel_loop3A_129, %parallel_loop3A_131 : i32
        %parallel_loop3A_133 = arith.index_cast %parallel_loop3A_132 : i32 to index
        %parallel_loop3A_134 = tpu.vector_load %arg6[%parallel_loop3A_133] {strides = array<i32>} : memref<2560xi32, #tpu.memory_space<vmem>>, vector<16xi32>,
        tpu.vector_store %arg6[%parallel_loop3A_133], %parallel_loop3A_127 {strides = array<i32>} : memref<2560xi32, #tpu.memory_space<vmem>>, vector<16xi32>,
      } {sc.loop_unroll_factor = 8 : i64, sc.parallel_access}
      %dma_start3A = arith.constant 0 : i32
      %dma_start3A_71 = arith.constant 0 : i32
      %dma_start3A_72 = arith.constant 0 : i32
      %dma_start3A_73 = tpu.memref_slice %arg7[%dma_start3A, %dma_start3A_71, %dma_start3A_72] : memref<2x640x32xf32, #tpu.memory_space<vmem>> -> memref<1x640x32xf32, #tpu.memory_space<vmem>>
      %dma_start3A_74 = tpu.memref_squeeze %dma_start3A_73 : memref<1x640x32xf32, #tpu.memory_space<vmem>> -> memref<640x32xf32, #tpu.memory_space<vmem>>
      %dma_start3A_75 = arith.constant 0 : i32
      %dma_start3A_76 = tpu.memref_slice %arg6[%dma_start3A_75] : memref<2560xi32, #tpu.memory_space<vmem>> -> memref<640xi32, #tpu.memory_space<vmem>>
      %dma_start3A_77 = arith.constant 0 : i32
      %dma_start3A_78 = arith.constant 0 : i32
      %dma_start3A_79 = tpu.memref_slice %arg3[%dma_start3A_77, %dma_start3A_78] : memref<1000000x32xf32, #tpu.memory_space<hbm>> -> memref<1000000x32xf32, #tpu.memory_space<hbm>>
      tpu.enqueue_indirect_dma source(%dma_start3A_79 : memref<1000000x32xf32, #tpu.memory_space<hbm>>) target(%dma_start3A_74 : memref<640x32xf32, #tpu.memory_space<vmem>>) offsets(%dma_start3A_76 : memref<640xi32, #tpu.memory_space<vmem>>) semaphore(%arg9 : memref<!tpu.dma_semaphore, #tpu.memory_space<semaphore_mem>>)
      %scan3A_80 = arith.constant 0 : i32
      %scan3A_81 = arith.constant 0 : i32
      %scan3A_82 = arith.constant 2 : i32
      %scan3A_83 = arith.addi %scan3A_81, %scan3A_82 : i32
      %scan3A_84 = arith.constant 1 : i32
      scf.for %scan3A_115 = %scan3A_81 to %scan3A_83 step %scan3A_84  : i32 {
        %mul3A_116 = arith.constant 2 : i32
        %mul3A_117 = arith.muli %scan3A_115, %mul3A_116 : i32
        %add3A_118 = arith.constant 0 : i32
        %add3A_119 = arith.addi %mul3A_117, %add3A_118 : i32
        %lt3A_120 = arith.constant 3 : i32
        %lt3A_121 = arith.cmpi slt, %add3A_119, %lt3A_120 : i32
        %convert_element_type3A = arith.extui %lt3A_121 : i1 to i32
        %cond3A = arith.constant 0 : i32
        %cond3A_122 = arith.cmpi ne, %convert_element_type3A, %cond3A : i32
        scf.if %cond3A_122 {
          %add3A_215 = arith.constant 1 : i32
          %add3A_216 = arith.addi %add3A_119, %add3A_215 : i32
          %mul3A_217 = arith.constant 640 : i32
          %mul3A_218 = arith.muli %add3A_216, %mul3A_217 : i32
          %dma_start3A_219 = arith.constant 1 : i32
          %dma_start3A_220 = arith.constant 0 : i32
          %dma_start3A_221 = arith.constant 0 : i32
          %dma_start3A_222 = tpu.memref_slice %arg7[%dma_start3A_219, %dma_start3A_220, %dma_start3A_221] : memref<2x640x32xf32, #tpu.memory_space<vmem>> -> memref<1x640x32xf32, #tpu.memory_space<vmem>>
          %dma_start3A_223 = tpu.memref_squeeze %dma_start3A_222 : memref<1x640x32xf32, #tpu.memory_space<vmem>> -> memref<640x32xf32, #tpu.memory_space<vmem>>
          %dma_start3A_224 = tpu.memref_slice %arg6[%mul3A_218] : memref<2560xi32, #tpu.memory_space<vmem>> -> memref<640xi32, #tpu.memory_space<vmem>>
          %dma_start3A_225 = arith.constant 0 : i32
          %dma_start3A_226 = arith.constant 0 : i32
          %dma_start3A_227 = tpu.memref_slice %arg3[%dma_start3A_225, %dma_start3A_226] : memref<1000000x32xf32, #tpu.memory_space<hbm>> -> memref<1000000x32xf32, #tpu.memory_space<hbm>>
          tpu.enqueue_indirect_dma source(%dma_start3A_227 : memref<1000000x32xf32, #tpu.memory_space<hbm>>) target(%dma_start3A_223 : memref<640x32xf32, #tpu.memory_space<vmem>>) offsets(%dma_start3A_224 : memref<640xi32, #tpu.memory_space<vmem>>) semaphore(%arg10 : memref<!tpu.dma_semaphore, #tpu.memory_space<semaphore_mem>>)
        } else {
        }
        %dma_wait3A_123 = arith.constant 0 : i32
        %dma_wait3A_124 = arith.constant 0 : i32
        %dma_wait3A_125 = arith.constant 0 : i32
        %dma_wait3A_126 = tpu.memref_slice %arg7[%dma_wait3A_123, %dma_wait3A_124, %dma_wait3A_125] : memref<2x640x32xf32, #tpu.memory_space<vmem>> -> memref<1x640x32xf32, #tpu.memory_space<vmem>>
        %dma_wait3A_127 = tpu.memref_squeeze %dma_wait3A_126 : memref<1x640x32xf32, #tpu.memory_space<vmem>> -> memref<640x32xf32, #tpu.memory_space<vmem>>
        %dma_wait3A_128 = arith.constant 0 : i32
        %dma_wait3A_129 = arith.constant 0 : i32
        %dma_wait3A_130 = tpu.memref_slice %arg3[%dma_wait3A_128, %dma_wait3A_129] : memref<1000000x32xf32, #tpu.memory_space<hbm>> -> memref<640x32xf32, #tpu.memory_space<hbm>>
        %dma_wait3A_131 = arith.constant 0 : i32
        %dma_wait3A_132 = arith.constant 0 : i32
        %dma_wait3A_133 = tpu.memref_slice %arg7[%dma_wait3A_123, %dma_wait3A_131, %dma_wait3A_132] : memref<2x640x32xf32, #tpu.memory_space<vmem>> -> memref<1x640x32xf32, #tpu.memory_space<vmem>>
        %dma_wait3A_134 = tpu.memref_squeeze %dma_wait3A_133 : memref<1x640x32xf32, #tpu.memory_space<vmem>> -> memref<640x32xf32, #tpu.memory_space<vmem>>
        %dma_wait3A_135 = arith.constant 0 : i32
        %dma_wait3A_136 = arith.constant 0 : i32
        %dma_wait3A_137 = tpu.memref_slice %arg3[%dma_wait3A_135, %dma_wait3A_136] : memref<1000000x32xf32, #tpu.memory_space<hbm>> -> memref<640x32xf32, #tpu.memory_space<hbm>>
        tpu.wait_dma2 semaphore(%arg9 : memref<!tpu.dma_semaphore, #tpu.memory_space<semaphore_mem>>) src(%dma_wait3A_137 : memref<640x32xf32, #tpu.memory_space<hbm>>) dst(%dma_wait3A_134 : memref<640x32xf32, #tpu.memory_space<vmem>>)
        %ge3A = arith.constant 2 : i32
        %ge3A_138 = arith.cmpi sge, %add3A_119, %ge3A : i32
        %convert_element_type3A_139 = arith.extui %ge3A_138 : i1 to i32
        %cond3A_140 = arith.constant 0 : i32
        %cond3A_141 = arith.cmpi ne, %convert_element_type3A_139, %cond3A_140 : i32
        scf.if %cond3A_141 {
          %dma_wait3A_215 = arith.constant 0 : i32
          %dma_wait3A_216 = arith.constant 0 : i32
          %dma_wait3A_217 = arith.constant 0 : i32
          %dma_wait3A_218 = tpu.memref_slice %arg8[%dma_wait3A_215, %dma_wait3A_216, %dma_wait3A_217] : memref<2x20x1024xf32, #tpu.memory_space<vmem>> -> memref<1x20x1024xf32, #tpu.memory_space<vmem>>
          %dma_wait3A_219 = tpu.memref_squeeze %dma_wait3A_218 : memref<1x20x1024xf32, #tpu.memory_space<vmem>> -> memref<20x1024xf32, #tpu.memory_space<vmem>>
          %dma_wait3A_220 = arith.constant 0 : i32
          %dma_wait3A_221 = arith.constant 0 : i32
          %dma_wait3A_222 = tpu.memref_slice %arg4[%dma_wait3A_220, %dma_wait3A_221] : memref<80x131072xf32, #tpu.memory_space<hbm>> -> memref<20x1024xf32, #tpu.memory_space<hbm>>
          %dma_wait3A_223 = arith.constant 0 : i32
          %dma_wait3A_224 = arith.constant 0 : i32
          %dma_wait3A_225 = tpu.memref_slice %arg4[%dma_wait3A_223, %dma_wait3A_224] : memref<80x131072xf32, #tpu.memory_space<hbm>> -> memref<20x1024xf32, #tpu.memory_space<hbm>>
          %dma_wait3A_226 = arith.constant 0 : i32
          %dma_wait3A_227 = arith.constant 0 : i32
          %dma_wait3A_228 = tpu.memref_slice %arg8[%dma_wait3A_215, %dma_wait3A_226, %dma_wait3A_227] : memref<2x20x1024xf32, #tpu.memory_space<vmem>> -> memref<1x20x1024xf32, #tpu.memory_space<vmem>>
          %dma_wait3A_229 = tpu.memref_squeeze %dma_wait3A_228 : memref<1x20x1024xf32, #tpu.memory_space<vmem>> -> memref<20x1024xf32, #tpu.memory_space<vmem>>
          tpu.wait_dma2 semaphore(%arg11 : memref<!tpu.dma_semaphore, #tpu.memory_space<semaphore_mem>>) src(%dma_wait3A_229 : memref<20x1024xf32, #tpu.memory_space<vmem>>) dst(%dma_wait3A_225 : memref<20x1024xf32, #tpu.memory_space<hbm>>)
        } else {
        }
        %parallel_loop3A_142 = arith.constant 0 : i32
        %parallel_loop3A_143 = arith.constant 640 : i32
        %parallel_loop3A_144 = arith.constant 1 : i32
        %parallel_loop3A_145 = arith.constant 0 : i32
        %parallel_loop3A_146 = arith.constant 0 : i32
        scf.for %parallel_loop3A_215 = %parallel_loop3A_142 to %parallel_loop3A_143 step %parallel_loop3A_144  : i32 {
          %parallel_loop3A_216 = arith.constant 7 : i32
          %parallel_loop3A_217 = arith.shrsi %parallel_loop3A_215, %parallel_loop3A_216 : i32
          %parallel_loop3A_218 = arith.constant 4 : i32
          %parallel_loop3A_219 = arith.muli %parallel_loop3A_217, %parallel_loop3A_218 : i32
          %parallel_loop3A_220 = arith.constant 127 : i32
          %parallel_loop3A_221 = arith.andi %parallel_loop3A_215, %parallel_loop3A_220 : i32
          %parallel_loop3A_222 = arith.constant 0 : i32
          %parallel_loop3A_223 = arith.constant 0 : i32
          %parallel_loop3A_224 = tpu.memref_slice %arg7[%parallel_loop3A_145, %parallel_loop3A_222, %parallel_loop3A_223] : memref<2x640x32xf32, #tpu.memory_space<vmem>> -> memref<1x640x32xf32, #tpu.memory_space<vmem>>
          %parallel_loop3A_225 = tpu.memref_squeeze %parallel_loop3A_224 : memref<1x640x32xf32, #tpu.memory_space<vmem>> -> memref<640x32xf32, #tpu.memory_space<vmem>>
          %parallel_loop3A_226 = arith.index_cast %parallel_loop3A_215 : i32 to index
          %parallel_loop3A_227 = arith.constant 0 : index
          %parallel_loop3A_228 = tpu.vector_load %parallel_loop3A_225[%parallel_loop3A_226, %parallel_loop3A_227] {strides = array<i32>} : memref<640x32xf32, #tpu.memory_space<vmem>>, vector<16xf32>,
          %parallel_loop3A_229 = arith.constant 0 : i32
          %parallel_loop3A_230 = arith.constant 0 : i32
          %parallel_loop3A_231 = tpu.memref_slice %arg7[%parallel_loop3A_145, %parallel_loop3A_229, %parallel_loop3A_230] : memref<2x640x32xf32, #tpu.memory_space<vmem>> -> memref<1x640x32xf32, #tpu.memory_space<vmem>>
          %parallel_loop3A_232 = tpu.memref_squeeze %parallel_loop3A_231 : memref<1x640x32xf32, #tpu.memory_space<vmem>> -> memref<640x32xf32, #tpu.memory_space<vmem>>
          %parallel_loop3A_233 = arith.index_cast %parallel_loop3A_215 : i32 to index
          %parallel_loop3A_234 = arith.constant 16 : index
          %parallel_loop3A_235 = tpu.vector_load %parallel_loop3A_232[%parallel_loop3A_233, %parallel_loop3A_234] {strides = array<i32>} : memref<640x32xf32, #tpu.memory_space<vmem>>, vector<16xf32>,
          %parallel_loop3A_236 = vector.broadcast %parallel_loop3A_221 : i32 to vector<16xi32>
          %parallel_loop3A_237 = arith.addi %mul3A_52, %parallel_loop3A_236 : vector<16xi32>
          %parallel_loop3A_238 = vector.broadcast %parallel_loop3A_219 : i32 to vector<16xi32>
          %parallel_loop3A_239 = arith.addi %select_n3A, %parallel_loop3A_238 : vector<16xi32>
          %parallel_loop3A_240 = arith.constant 0 : i32
          %parallel_loop3A_241 = arith.constant 0 : i32
          %parallel_loop3A_242 = tpu.memref_slice %arg8[%parallel_loop3A_146, %parallel_loop3A_240, %parallel_loop3A_241] : memref<2x20x1024xf32, #tpu.memory_space<vmem>> -> memref<1x20x1024xf32, #tpu.memory_space<vmem>>
          %parallel_loop3A_243 = tpu.memref_squeeze %parallel_loop3A_242 : memref<1x20x1024xf32, #tpu.memory_space<vmem>> -> memref<20x1024xf32, #tpu.memory_space<vmem>>
          tpu.vector_store_idx %parallel_loop3A_243[%parallel_loop3A_239, %parallel_loop3A_237], %parallel_loop3A_228 : memref<20x1024xf32, #tpu.memory_space<vmem>>[vector<16xi32>, vector<16xi32>], vector<16xf32>,
          %parallel_loop3A_244 = vector.broadcast %parallel_loop3A_219 : i32 to vector<16xi32>
          %parallel_loop3A_245 = arith.addi %add3A_29, %parallel_loop3A_244 : vector<16xi32>
          %parallel_loop3A_246 = arith.constant 0 : i32
          %parallel_loop3A_247 = arith.constant 0 : i32
          %parallel_loop3A_248 = tpu.memref_slice %arg8[%parallel_loop3A_146, %parallel_loop3A_246, %parallel_loop3A_247] : memref<2x20x1024xf32, #tpu.memory_space<vmem>> -> memref<1x20x1024xf32, #tpu.memory_space<vmem>>
          %parallel_loop3A_249 = tpu.memref_squeeze %parallel_loop3A_248 : memref<1x20x1024xf32, #tpu.memory_space<vmem>> -> memref<20x1024xf32, #tpu.memory_space<vmem>>
          tpu.vector_store_idx %parallel_loop3A_249[%parallel_loop3A_245, %parallel_loop3A_237], %parallel_loop3A_235 : memref<20x1024xf32, #tpu.memory_space<vmem>>[vector<16xi32>, vector<16xi32>], vector<16xf32>,
        } {sc.loop_unroll_factor = 8 : i64, sc.parallel_access}
        %mul3A_147 = arith.constant 5 : i32
        %mul3A_148 = arith.muli %add3A_119, %mul3A_147 : i32
        %mul3A_149 = arith.constant 4 : i32
        %mul3A_150 = arith.muli %mul3A_148, %mul3A_149 : i32
        %mul3A_151 = arith.constant 1024 : i32
        %mul3A_152 = arith.muli %add3A_66, %mul3A_151 : i32
        %dma_start3A_153 = arith.constant 0 : i32
        %dma_start3A_154 = arith.constant 0 : i32
        %dma_start3A_155 = arith.constant 0 : i32
        %dma_start3A_156 = tpu.memref_slice %arg8[%dma_start3A_153, %dma_start3A_154, %dma_start3A_155] : memref<2x20x1024xf32, #tpu.memory_space<vmem>> -> memref<1x20x1024xf32, #tpu.memory_space<vmem>>
        %dma_start3A_157 = tpu.memref_squeeze %dma_start3A_156 : memref<1x20x1024xf32, #tpu.memory_space<vmem>> -> memref<20x1024xf32, #tpu.memory_space<vmem>>
        %dma_start3A_158 = tpu.memref_slice %arg4[%mul3A_150, %mul3A_152] : memref<80x131072xf32, #tpu.memory_space<hbm>> -> memref<20x1024xf32, #tpu.memory_space<hbm>>
        %dma_start3A_159 = tpu.memref_slice %arg4[%mul3A_150, %mul3A_152] : memref<80x131072xf32, #tpu.memory_space<hbm>> -> memref<20x1024xf32, #tpu.memory_space<hbm>>
        %dma_start3A_160 = arith.constant 0 : i32
        %dma_start3A_161 = arith.constant 0 : i32
        %dma_start3A_162 = tpu.memref_slice %arg8[%dma_start3A_153, %dma_start3A_160, %dma_start3A_161] : memref<2x20x1024xf32, #tpu.memory_space<vmem>> -> memref<1x20x1024xf32, #tpu.memory_space<vmem>>
        %dma_start3A_163 = tpu.memref_squeeze %dma_start3A_162 : memref<1x20x1024xf32, #tpu.memory_space<vmem>> -> memref<20x1024xf32, #tpu.memory_space<vmem>>
        tpu.enqueue_dma source(%dma_start3A_163 : memref<20x1024xf32, #tpu.memory_space<vmem>>) target(%dma_start3A_159 : memref<20x1024xf32, #tpu.memory_space<hbm>>) target_semaphore(%arg11 : memref<!tpu.dma_semaphore, #tpu.memory_space<semaphore_mem>>)
        %mul3A_164 = arith.constant 2 : i32
        %mul3A_165 = arith.muli %scan3A_115, %mul3A_164 : i32
        %add3A_166 = arith.constant 1 : i32
        %add3A_167 = arith.addi %mul3A_165, %add3A_166 : i32
        %lt3A_168 = arith.constant 3 : i32
        %lt3A_169 = arith.cmpi slt, %add3A_167, %lt3A_168 : i32
        %convert_element_type3A_170 = arith.extui %lt3A_169 : i1 to i32
        %cond3A_171 = arith.constant 0 : i32
        %cond3A_172 = arith.cmpi ne, %convert_element_type3A_170, %cond3A_171 : i32
        scf.if %cond3A_172 {
          %add3A_215 = arith.constant 1 : i32
          %add3A_216 = arith.addi %add3A_167, %add3A_215 : i32
          %mul3A_217 = arith.constant 640 : i32
          %mul3A_218 = arith.muli %add3A_216, %mul3A_217 : i32
          %dma_start3A_219 = arith.constant 0 : i32
          %dma_start3A_220 = arith.constant 0 : i32
          %dma_start3A_221 = arith.constant 0 : i32
          %dma_start3A_222 = tpu.memref_slice %arg7[%dma_start3A_219, %dma_start3A_220, %dma_start3A_221] : memref<2x640x32xf32, #tpu.memory_space<vmem>> -> memref<1x640x32xf32, #tpu.memory_space<vmem>>
          %dma_start3A_223 = tpu.memref_squeeze %dma_start3A_222 : memref<1x640x32xf32, #tpu.memory_space<vmem>> -> memref<640x32xf32, #tpu.memory_space<vmem>>
          %dma_start3A_224 = tpu.memref_slice %arg6[%mul3A_218] : memref<2560xi32, #tpu.memory_space<vmem>> -> memref<640xi32, #tpu.memory_space<vmem>>
          %dma_start3A_225 = arith.constant 0 : i32
          %dma_start3A_226 = arith.constant 0 : i32
          %dma_start3A_227 = tpu.memref_slice %arg3[%dma_start3A_225, %dma_start3A_226] : memref<1000000x32xf32, #tpu.memory_space<hbm>> -> memref<1000000x32xf32, #tpu.memory_space<hbm>>
          tpu.enqueue_indirect_dma source(%dma_start3A_227 : memref<1000000x32xf32, #tpu.memory_space<hbm>>) target(%dma_start3A_223 : memref<640x32xf32, #tpu.memory_space<vmem>>) offsets(%dma_start3A_224 : memref<640xi32, #tpu.memory_space<vmem>>) semaphore(%arg9 : memref<!tpu.dma_semaphore, #tpu.memory_space<semaphore_mem>>)
        } else {
        }
        %dma_wait3A_173 = arith.constant 1 : i32
        %dma_wait3A_174 = arith.constant 0 : i32
        %dma_wait3A_175 = arith.constant 0 : i32
        %dma_wait3A_176 = tpu.memref_slice %arg7[%dma_wait3A_173, %dma_wait3A_174, %dma_wait3A_175] : memref<2x640x32xf32, #tpu.memory_space<vmem>> -> memref<1x640x32xf32, #tpu.memory_space<vmem>>
        %dma_wait3A_177 = tpu.memref_squeeze %dma_wait3A_176 : memref<1x640x32xf32, #tpu.memory_space<vmem>> -> memref<640x32xf32, #tpu.memory_space<vmem>>
        %dma_wait3A_178 = arith.constant 0 : i32
        %dma_wait3A_179 = arith.constant 0 : i32
        %dma_wait3A_180 = tpu.memref_slice %arg3[%dma_wait3A_178, %dma_wait3A_179] : memref<1000000x32xf32, #tpu.memory_space<hbm>> -> memref<640x32xf32, #tpu.memory_space<hbm>>
        %dma_wait3A_181 = arith.constant 0 : i32
        %dma_wait3A_182 = arith.constant 0 : i32
        %dma_wait3A_183 = tpu.memref_slice %arg7[%dma_wait3A_173, %dma_wait3A_181, %dma_wait3A_182] : memref<2x640x32xf32, #tpu.memory_space<vmem>> -> memref<1x640x32xf32, #tpu.memory_space<vmem>>
        %dma_wait3A_184 = tpu.memref_squeeze %dma_wait3A_183 : memref<1x640x32xf32, #tpu.memory_space<vmem>> -> memref<640x32xf32, #tpu.memory_space<vmem>>
        %dma_wait3A_185 = arith.constant 0 : i32
        %dma_wait3A_186 = arith.constant 0 : i32
        %dma_wait3A_187 = tpu.memref_slice %arg3[%dma_wait3A_185, %dma_wait3A_186] : memref<1000000x32xf32, #tpu.memory_space<hbm>> -> memref<640x32xf32, #tpu.memory_space<hbm>>
        tpu.wait_dma2 semaphore(%arg10 : memref<!tpu.dma_semaphore, #tpu.memory_space<semaphore_mem>>) src(%dma_wait3A_187 : memref<640x32xf32, #tpu.memory_space<hbm>>) dst(%dma_wait3A_184 : memref<640x32xf32, #tpu.memory_space<vmem>>)
        %ge3A_188 = arith.constant 2 : i32
        %ge3A_189 = arith.cmpi sge, %add3A_167, %ge3A_188 : i32
        %convert_element_type3A_190 = arith.extui %ge3A_189 : i1 to i32
        %cond3A_191 = arith.constant 0 : i32
        %cond3A_192 = arith.cmpi ne, %convert_element_type3A_190, %cond3A_191 : i32
        scf.if %cond3A_192 {
          %dma_wait3A_215 = arith.constant 1 : i32
          %dma_wait3A_216 = arith.constant 0 : i32
          %dma_wait3A_217 = arith.constant 0 : i32
          %dma_wait3A_218 = tpu.memref_slice %arg8[%dma_wait3A_215, %dma_wait3A_216, %dma_wait3A_217] : memref<2x20x1024xf32, #tpu.memory_space<vmem>> -> memref<1x20x1024xf32, #tpu.memory_space<vmem>>
          %dma_wait3A_219 = tpu.memref_squeeze %dma_wait3A_218 : memref<1x20x1024xf32, #tpu.memory_space<vmem>> -> memref<20x1024xf32, #tpu.memory_space<vmem>>
          %dma_wait3A_220 = arith.constant 0 : i32
          %dma_wait3A_221 = arith.constant 0 : i32
          %dma_wait3A_222 = tpu.memref_slice %arg4[%dma_wait3A_220, %dma_wait3A_221] : memref<80x131072xf32, #tpu.memory_space<hbm>> -> memref<20x1024xf32, #tpu.memory_space<hbm>>
          %dma_wait3A_223 = arith.constant 0 : i32
          %dma_wait3A_224 = arith.constant 0 : i32
          %dma_wait3A_225 = tpu.memref_slice %arg4[%dma_wait3A_223, %dma_wait3A_224] : memref<80x131072xf32, #tpu.memory_space<hbm>> -> memref<20x1024xf32, #tpu.memory_space<hbm>>
          %dma_wait3A_226 = arith.constant 0 : i32
          %dma_wait3A_227 = arith.constant 0 : i32
          %dma_wait3A_228 = tpu.memref_slice %arg8[%dma_wait3A_215, %dma_wait3A_226, %dma_wait3A_227] : memref<2x20x1024xf32, #tpu.memory_space<vmem>> -> memref<1x20x1024xf32, #tpu.memory_space<vmem>>
          %dma_wait3A_229 = tpu.memref_squeeze %dma_wait3A_228 : memref<1x20x1024xf32, #tpu.memory_space<vmem>> -> memref<20x1024xf32, #tpu.memory_space<vmem>>
          tpu.wait_dma2 semaphore(%arg12 : memref<!tpu.dma_semaphore, #tpu.memory_space<semaphore_mem>>) src(%dma_wait3A_229 : memref<20x1024xf32, #tpu.memory_space<vmem>>) dst(%dma_wait3A_225 : memref<20x1024xf32, #tpu.memory_space<hbm>>)
        } else {
        }
        %parallel_loop3A_193 = arith.constant 0 : i32
        %parallel_loop3A_194 = arith.constant 640 : i32
        %parallel_loop3A_195 = arith.constant 1 : i32
        %parallel_loop3A_196 = arith.constant 1 : i32
        %parallel_loop3A_197 = arith.constant 1 : i32
        scf.for %parallel_loop3A_215 = %parallel_loop3A_193 to %parallel_loop3A_194 step %parallel_loop3A_195  : i32 {
          %parallel_loop3A_216 = arith.constant 7 : i32
          %parallel_loop3A_217 = arith.shrsi %parallel_loop3A_215, %parallel_loop3A_216 : i32
          %parallel_loop3A_218 = arith.constant 4 : i32
          %parallel_loop3A_219 = arith.muli %parallel_loop3A_217, %parallel_loop3A_218 : i32
          %parallel_loop3A_220 = arith.constant 127 : i32
          %parallel_loop3A_221 = arith.andi %parallel_loop3A_215, %parallel_loop3A_220 : i32
          %parallel_loop3A_222 = arith.constant 0 : i32
          %parallel_loop3A_223 = arith.constant 0 : i32
          %parallel_loop3A_224 = tpu.memref_slice %arg7[%parallel_loop3A_196, %parallel_loop3A_222, %parallel_loop3A_223] : memref<2x640x32xf32, #tpu.memory_space<vmem>> -> memref<1x640x32xf32, #tpu.memory_space<vmem>>
          %parallel_loop3A_225 = tpu.memref_squeeze %parallel_loop3A_224 : memref<1x640x32xf32, #tpu.memory_space<vmem>> -> memref<640x32xf32, #tpu.memory_space<vmem>>
          %parallel_loop3A_226 = arith.index_cast %parallel_loop3A_215 : i32 to index
          %parallel_loop3A_227 = arith.constant 0 : index
          %parallel_loop3A_228 = tpu.vector_load %parallel_loop3A_225[%parallel_loop3A_226, %parallel_loop3A_227] {strides = array<i32>} : memref<640x32xf32, #tpu.memory_space<vmem>>, vector<16xf32>,
          %parallel_loop3A_229 = arith.constant 0 : i32
          %parallel_loop3A_230 = arith.constant 0 : i32
          %parallel_loop3A_231 = tpu.memref_slice %arg7[%parallel_loop3A_196, %parallel_loop3A_229, %parallel_loop3A_230] : memref<2x640x32xf32, #tpu.memory_space<vmem>> -> memref<1x640x32xf32, #tpu.memory_space<vmem>>
          %parallel_loop3A_232 = tpu.memref_squeeze %parallel_loop3A_231 : memref<1x640x32xf32, #tpu.memory_space<vmem>> -> memref<640x32xf32, #tpu.memory_space<vmem>>
          %parallel_loop3A_233 = arith.index_cast %parallel_loop3A_215 : i32 to index
          %parallel_loop3A_234 = arith.constant 16 : index
          %parallel_loop3A_235 = tpu.vector_load %parallel_loop3A_232[%parallel_loop3A_233, %parallel_loop3A_234] {strides = array<i32>} : memref<640x32xf32, #tpu.memory_space<vmem>>, vector<16xf32>,
          %parallel_loop3A_236 = vector.broadcast %parallel_loop3A_221 : i32 to vector<16xi32>
          %parallel_loop3A_237 = arith.addi %mul3A_52, %parallel_loop3A_236 : vector<16xi32>
          %parallel_loop3A_238 = vector.broadcast %parallel_loop3A_219 : i32 to vector<16xi32>
          %parallel_loop3A_239 = arith.addi %select_n3A, %parallel_loop3A_238 : vector<16xi32>
          %parallel_loop3A_240 = arith.constant 0 : i32
          %parallel_loop3A_241 = arith.constant 0 : i32
          %parallel_loop3A_242 = tpu.memref_slice %arg8[%parallel_loop3A_197, %parallel_loop3A_240, %parallel_loop3A_241] : memref<2x20x1024xf32, #tpu.memory_space<vmem>> -> memref<1x20x1024xf32, #tpu.memory_space<vmem>>
          %parallel_loop3A_243 = tpu.memref_squeeze %parallel_loop3A_242 : memref<1x20x1024xf32, #tpu.memory_space<vmem>> -> memref<20x1024xf32, #tpu.memory_space<vmem>>
          tpu.vector_store_idx %parallel_loop3A_243[%parallel_loop3A_239, %parallel_loop3A_237], %parallel_loop3A_228 : memref<20x1024xf32, #tpu.memory_space<vmem>>[vector<16xi32>, vector<16xi32>], vector<16xf32>,
          %parallel_loop3A_244 = vector.broadcast %parallel_loop3A_219 : i32 to vector<16xi32>
          %parallel_loop3A_245 = arith.addi %add3A_29, %parallel_loop3A_244 : vector<16xi32>
          %parallel_loop3A_246 = arith.constant 0 : i32
          %parallel_loop3A_247 = arith.constant 0 : i32
          %parallel_loop3A_248 = tpu.memref_slice %arg8[%parallel_loop3A_197, %parallel_loop3A_246, %parallel_loop3A_247] : memref<2x20x1024xf32, #tpu.memory_space<vmem>> -> memref<1x20x1024xf32, #tpu.memory_space<vmem>>
          %parallel_loop3A_249 = tpu.memref_squeeze %parallel_loop3A_248 : memref<1x20x1024xf32, #tpu.memory_space<vmem>> -> memref<20x1024xf32, #tpu.memory_space<vmem>>
          tpu.vector_store_idx %parallel_loop3A_249[%parallel_loop3A_245, %parallel_loop3A_237], %parallel_loop3A_235 : memref<20x1024xf32, #tpu.memory_space<vmem>>[vector<16xi32>, vector<16xi32>], vector<16xf32>,
        } {sc.loop_unroll_factor = 8 : i64, sc.parallel_access}
        %mul3A_198 = arith.constant 5 : i32
        %mul3A_199 = arith.muli %add3A_167, %mul3A_198 : i32
        %mul3A_200 = arith.constant 4 : i32
        %mul3A_201 = arith.muli %mul3A_199, %mul3A_200 : i32
        %mul3A_202 = arith.constant 1024 : i32
        %mul3A_203 = arith.muli %add3A_66, %mul3A_202 : i32
        %dma_start3A_204 = arith.constant 1 : i32
        %dma_start3A_205 = arith.constant 0 : i32
        %dma_start3A_206 = arith.constant 0 : i32
        %dma_start3A_207 = tpu.memref_slice %arg8[%dma_start3A_204, %dma_start3A_205, %dma_start3A_206] : memref<2x20x1024xf32, #tpu.memory_space<vmem>> -> memref<1x20x1024xf32, #tpu.memory_space<vmem>>
        %dma_start3A_208 = tpu.memref_squeeze %dma_start3A_207 : memref<1x20x1024xf32, #tpu.memory_space<vmem>> -> memref<20x1024xf32, #tpu.memory_space<vmem>>
        %dma_start3A_209 = tpu.memref_slice %arg4[%mul3A_201, %mul3A_203] : memref<80x131072xf32, #tpu.memory_space<hbm>> -> memref<20x1024xf32, #tpu.memory_space<hbm>>
        %dma_start3A_210 = tpu.memref_slice %arg4[%mul3A_201, %mul3A_203] : memref<80x131072xf32, #tpu.memory_space<hbm>> -> memref<20x1024xf32, #tpu.memory_space<hbm>>
        %dma_start3A_211 = arith.constant 0 : i32
        %dma_start3A_212 = arith.constant 0 : i32
        %dma_start3A_213 = tpu.memref_slice %arg8[%dma_start3A_204, %dma_start3A_211, %dma_start3A_212] : memref<2x20x1024xf32, #tpu.memory_space<vmem>> -> memref<1x20x1024xf32, #tpu.memory_space<vmem>>
        %dma_start3A_214 = tpu.memref_squeeze %dma_start3A_213 : memref<1x20x1024xf32, #tpu.memory_space<vmem>> -> memref<20x1024xf32, #tpu.memory_space<vmem>>
        tpu.enqueue_dma source(%dma_start3A_214 : memref<20x1024xf32, #tpu.memory_space<vmem>>) target(%dma_start3A_210 : memref<20x1024xf32, #tpu.memory_space<hbm>>) target_semaphore(%arg12 : memref<!tpu.dma_semaphore, #tpu.memory_space<semaphore_mem>>)
      }
      %scan3A_85 = arith.constant 2 : i32
      %dma_wait3A = arith.constant 0 : i32
      %dma_wait3A_86 = arith.constant 0 : i32
      %dma_wait3A_87 = arith.constant 0 : i32
      %dma_wait3A_88 = tpu.memref_slice %arg8[%dma_wait3A, %dma_wait3A_86, %dma_wait3A_87] : memref<2x20x1024xf32, #tpu.memory_space<vmem>> -> memref<1x20x1024xf32, #tpu.memory_space<vmem>>
      %dma_wait3A_89 = tpu.memref_squeeze %dma_wait3A_88 : memref<1x20x1024xf32, #tpu.memory_space<vmem>> -> memref<20x1024xf32, #tpu.memory_space<vmem>>
      %dma_wait3A_90 = arith.constant 0 : i32
      %dma_wait3A_91 = arith.constant 0 : i32
      %dma_wait3A_92 = tpu.memref_slice %arg4[%dma_wait3A_90, %dma_wait3A_91] : memref<80x131072xf32, #tpu.memory_space<hbm>> -> memref<20x1024xf32, #tpu.memory_space<hbm>>
      %dma_wait3A_93 = arith.constant 0 : i32
      %dma_wait3A_94 = arith.constant 0 : i32
      %dma_wait3A_95 = tpu.memref_slice %arg4[%dma_wait3A_93, %dma_wait3A_94] : memref<80x131072xf32, #tpu.memory_space<hbm>> -> memref<20x1024xf32, #tpu.memory_space<hbm>>
      %dma_wait3A_96 = arith.constant 0 : i32
      %dma_wait3A_97 = arith.constant 0 : i32
      %dma_wait3A_98 = tpu.memref_slice %arg8[%dma_wait3A, %dma_wait3A_96, %dma_wait3A_97] : memref<2x20x1024xf32, #tpu.memory_space<vmem>> -> memref<1x20x1024xf32, #tpu.memory_space<vmem>>
      %dma_wait3A_99 = tpu.memref_squeeze %dma_wait3A_98 : memref<1x20x1024xf32, #tpu.memory_space<vmem>> -> memref<20x1024xf32, #tpu.memory_space<vmem>>
      tpu.wait_dma2 semaphore(%arg11 : memref<!tpu.dma_semaphore, #tpu.memory_space<semaphore_mem>>) src(%dma_wait3A_99 : memref<20x1024xf32, #tpu.memory_space<vmem>>) dst(%dma_wait3A_95 : memref<20x1024xf32, #tpu.memory_space<hbm>>)
      %dma_wait3A_100 = arith.constant 1 : i32
      %dma_wait3A_101 = arith.constant 0 : i32
      %dma_wait3A_102 = arith.constant 0 : i32
      %dma_wait3A_103 = tpu.memref_slice %arg8[%dma_wait3A_100, %dma_wait3A_101, %dma_wait3A_102] : memref<2x20x1024xf32, #tpu.memory_space<vmem>> -> memref<1x20x1024xf32, #tpu.memory_space<vmem>>
      %dma_wait3A_104 = tpu.memref_squeeze %dma_wait3A_103 : memref<1x20x1024xf32, #tpu.memory_space<vmem>> -> memref<20x1024xf32, #tpu.memory_space<vmem>>
      %dma_wait3A_105 = arith.constant 0 : i32
      %dma_wait3A_106 = arith.constant 0 : i32
      %dma_wait3A_107 = tpu.memref_slice %arg4[%dma_wait3A_105, %dma_wait3A_106] : memref<80x131072xf32, #tpu.memory_space<hbm>> -> memref<20x1024xf32, #tpu.memory_space<hbm>>
      %dma_wait3A_108 = arith.constant 0 : i32
      %dma_wait3A_109 = arith.constant 0 : i32
      %dma_wait3A_110 = tpu.memref_slice %arg4[%dma_wait3A_108, %dma_wait3A_109] : memref<80x131072xf32, #tpu.memory_space<hbm>> -> memref<20x1024xf32, #tpu.memory_space<hbm>>
      %dma_wait3A_111 = arith.constant 0 : i32
      %dma_wait3A_112 = arith.constant 0 : i32
      %dma_wait3A_113 = tpu.memref_slice %arg8[%dma_wait3A_100, %dma_wait3A_111, %dma_wait3A_112] : memref<2x20x1024xf32, #tpu.memory_space<vmem>> -> memref<1x20x1024xf32, #tpu.memory_space<vmem>>
      %dma_wait3A_114 = tpu.memref_squeeze %dma_wait3A_113 : memref<1x20x1024xf32, #tpu.memory_space<vmem>> -> memref<20x1024xf32, #tpu.memory_space<vmem>>
      tpu.wait_dma2 semaphore(%arg12 : memref<!tpu.dma_semaphore, #tpu.memory_space<semaphore_mem>>) src(%dma_wait3A_114 : memref<20x1024xf32, #tpu.memory_space<vmem>>) dst(%dma_wait3A_110 : memref<20x1024xf32, #tpu.memory_space<hbm>>)
    }
    %scan3A_57 = arith.constant 4 : i32
    return
  }
}

</mosaic_0001>

<sc_bundles>
// kernel: _run.4.cloned.1.call-start
scs
__scs_entry_jumppad:
0x0: {  	(pc) =	sbr.rel $0x88, $3  }
0x1: {  	(tag) =	ssettag $0x0;
	lr =	simm.s32 $0x1  }
0x2: {  	[smem:$0x3F9F] =	sst lr;
	_ =	strace $0xD0000000  }
0x3: {  	_ = 	snop  }
0x4: {  	_ = 	snop  }
0x5: {  	_ = 	snop  }
0x6: {  	_ = 	snop  }
0x7: {  	_ = 	snop  }
__scs_overlays_trampoline_lowered:
0x8: {  	[smem:$0x3FAE] =	sst s0  }
0x9: {  	[smem:$0x3FAF] =	sst s1  }
0xa: {  	[smem:$0x3FB0] =	sst s2  }
0xb: {  	[smem:$0x3FB1] =	sst s3  }
0xc: {  	[smem:$0x3FB2] =	sst s4  }
0xd: {  	[smem:$0x3FB3] =	sst s5  }
0xe: {  	[smem:$0x3FB4] =	sst s6  }
0xf: {  	[smem:$0x3FB5] =	sst s7  }
0x10: {  	[smem:$0x3FB6] =	sst s8  }
0x11: {  	[smem:$0x3FB7] =	sst s9;
	s0 =	simm.s32 @!p0 $0x0  }
0x12: {  	s1 =	sld [smem:$0x3F9D];
	s0 =	simm.s32 @p0 $0x1  }
0x13: {  	[smem:$0x3FB8] =	sst s0;
	s0 =	simm.s32 @!p1 $0x0  }
0x14: {  	s2 =	sld [smem:$0x3F9C];
	s0 =	simm.s32 @p1 $0x1  }
0x15: {  	[smem:$0x3FB9] =	sst s0;
	s0 =	simm.s32 @!p2 $0x0  }
0x16: {  	s3 =	sld [smem:$0x3FDB];
	s0 =	simm.s32 @p2 $0x1  }
0x17: {  	s4 =	simm.s32 $0x1BF5;
	[smem:$0x3FBB] =	sst s0  }
0x18: {  	s0 =	sld [smem:$0x3F9E];
	_ =	swait.ge [sflag:s4], $0x0  }
0x19: {  	s7 =	sld [smem:$0x3F9F]  }
0x1a: {  	s8 =	sadd.s32 $0xFFFFE003, lr  }
0x1b: {  	s9 =	sadd.s32 $0xFFFFFEF7, lr;
	s5 =	simm.s32 $0xFFFFFFFF;
	p2 =	slt.u32 s8, $0xFFFFF086  }
0x1c: {  	p1 =	slt.u32 s9, $0xF7A;
	s5 =	simm.s32 @!p2 $0x0  }
0x1d: {  	s5 =	simm.s32 @p1 $0x1;
	p0 =	seq.s32 s7, s2  }
0x1e: {  	s7 =	smul.u32 @!p0 $0xF7A, s2;
	p2 =	seq.s32 @!p0 s5, $0x0  }
0x1f: {  	s9 =	smul.u32 $0xF7A, s1;
	s8 =	simm.s32 @!p0 $0x1BF5;
	p2 =	por !p2, p0  }
0x20: {  	[sflag:s8] =	ssyncset.s32 @!p0 $0xFFFFF086;
	s6 =	sadd.s32 @!p0 s3, s7;
	s7 =	simm.s32 @!p0 $0x108  }
0x21: {  	s3 =	sadd.s32 s3, s9;
	s6 =	sadd.s32 @!p0 $0x88, s6;
	s7 =	simm.s32 @p2 $0x1082  }
0x22: {  	[simem:s7], [sflag:s8] =	dma.local @!p0 [hbm:s6], $0xF7A  }
0x23: {  	s9 =	sor.u32 $0xD0000000, s2;
	s6 =	simm.s32 $0x108;
	_ =	swait.ge @!p0 [sflag:s8], $0x0  }
0x24: {  	s3 =	sadd.s32 $0x88, s3;
	s6 =	simm.s32 @!p1 $0x1082;
	[sflag:s4] =	ssyncset.s32 $0xFFFFF086  }
0x25: {  	[simem:s6], [sflag:s4] =	dma.local [hbm:s3], $0xF7A  }
0x26: {  	[smem:$0x3F9F] =	sst s1;
	(tag) =	ssettag s2;
	_ =	strace s9  }
0x27: {  	s1 =	sld [smem:$0x3FAF]  }
0x28: {  	s2 =	sld [smem:$0x3FB0]  }
0x29: {  	s4 =	sld [smem:$0x3FB2]  }
0x2a: {  	p0 =	seq.s32 s5, $0x0;
	s5 =	sld [smem:$0x3FB3]  }
0x2b: {  	s6 =	sld [smem:$0x3FB4]  }
0x2c: {  	s7 =	sld [smem:$0x3FB5]  }
0x2d: {  	s3 =	simm.s32 $0x108;
	s8 =	sld [smem:$0x3FB6]  }
0x2e: {  	s3 =	simm.s32 @!p0 $0x1082;
	s9 =	sld [smem:$0x3FB7]  }
0x2f: {  	lr =	sadd.s32 s0, s3;
	s0 =	sld [smem:$0x3FAE]  }
0x30: {  	s3 =	sld [smem:$0x3FB1]  }
0x31: {  	[smem:$0x3FBA] =	sst s10  }
0x32: {  	s10 =	sld [smem:$0x3FB8];
	_ =	sdelay $0x3  }
0x33: {  	p0 =	seq.s32 s10, $0x1;
	s10 =	sld [smem:$0x3FBA];
	_ =	sdelay $0x3  }
0x34: {  	[smem:$0x3FBA] =	sst s10  }
0x35: {  	s10 =	sld [smem:$0x3FB9];
	_ =	sdelay $0x3  }
0x36: {  	p1 =	seq.s32 s10, $0x1;
	s10 =	sld [smem:$0x3FBA];
	_ =	sdelay $0x3  }
0x37: {  	[smem:$0x3FBA] =	sst s10  }
0x38: {  	s10 =	sld [smem:$0x3FBB]  }
0x39: {  	_ = 	snop;
	(pc) =	sbr.ind lr, $3  }
0x3a: {  	_ = 	snop  }
0x3b: {  	_ = 	snop  }
0x3c: {  	p2 =	seq.s32 s10, $0x1;
	s10 =	sld [smem:$0x3FBA]  }
0x3d: {  	_ =	shalt  }
0x3e: {  	_ =	shalt  }
0x3f: {  	_ =	shalt  }
0x40: {  	_ =	shalt  }
0x41: {  	_ =	shalt  }
0x42: {  	_ =	shalt  }
0x43: {  	_ =	shalt  }
0x44: {  	_ =	shalt  }
0x45: {  	_ =	shalt  }
0x46: {  	_ =	shalt  }
0x47: {  	_ =	shalt  }
0x48: {  	_ =	shalt  }
0x49: {  	_ =	shalt  }
0x4a: {  	_ =	shalt  }
0x4b: {  	_ =	shalt  }
0x4c: {  	_ =	shalt  }
0x4d: {  	_ =	shalt  }
0x4e: {  	_ =	shalt  }
0x4f: {  	_ =	shalt  }
0x50: {  	_ =	shalt  }
0x51: {  	_ =	shalt  }
0x52: {  	_ =	shalt  }
0x53: {  	_ =	shalt  }
0x54: {  	_ =	shalt  }
0x55: {  	_ =	shalt  }
0x56: {  	_ =	shalt  }
0x57: {  	_ =	shalt  }
0x58: {  	_ =	shalt  }
0x59: {  	_ =	shalt  }
0x5a: {  	_ =	shalt  }
0x5b: {  	_ =	shalt  }
0x5c: {  	_ =	shalt  }
0x5d: {  	_ =	shalt  }
0x5e: {  	_ =	shalt  }
0x5f: {  	_ =	shalt  }
0x60: {  	_ =	shalt  }
0x61: {  	_ =	shalt  }
0x62: {  	_ =	shalt  }
0x63: {  	_ =	shalt  }
0x64: {  	_ =	shalt  }
0x65: {  	_ =	shalt  }
0x66: {  	_ =	shalt  }
0x67: {  	_ =	shalt  }
0x68: {  	_ =	shalt  }
0x69: {  	_ =	shalt  }
0x6a: {  	_ =	shalt  }
0x6b: {  	_ =	shalt  }
0x6c: {  	_ =	shalt  }
0x6d: {  	_ =	shalt  }
0x6e: {  	_ =	shalt  }
0x6f: {  	_ =	shalt  }
0x70: {  	_ =	shalt  }
0x71: {  	_ =	shalt  }
0x72: {  	_ =	shalt  }
0x73: {  	_ =	shalt  }
0x74: {  	_ =	shalt  }
0x75: {  	_ =	shalt  }
0x76: {  	_ =	shalt  }
0x77: {  	_ =	shalt  }
0x78: {  	_ =	shalt  }
0x79: {  	_ =	shalt  }
0x7a: {  	_ =	shalt  }
0x7b: {  	_ =	shalt  }
0x7c: {  	_ =	shalt  }
0x7d: {  	_ =	shalt  }
0x7e: {  	_ =	shalt  }
0x7f: {  	_ =	shalt  }
0x80: {  	_ =	shalt  }
0x81: {  	_ =	shalt  }
0x82: {  	_ =	shalt  }
0x83: {  	_ =	shalt  }
0x84: {  	_ =	shalt  }
0x85: {  	_ =	shalt  }
0x86: {  	_ =	shalt  }
0x87: {  	_ =	shalt  }
.Lfunc_end0:
.L_simem_size_0:
called_computation_lowered:
.L_overlay_start_0:
0x88: {  	s2 =	sld [smem:$0x3FD9]  }
0x89: {  	s3 =	sld [smem:$0x3FFE];
	_ =	sdelay $0x1  }
0x8a: {  	s1 =	srdreg.scid  }
0x8b: {  	s0 =	sand.u32 $0x1, s1  }
0x8c: {  	s17 =	sshll.u32 s0, $0xA;
	s2 =	sadd.s32 s3, s2  }
0x8d: {  	s2 =	sadd.s32 s2, s17  }
0x8e: {  	[smem:$0x3FC6] =	sst s2  }
0x8f: {  	_ = 	snop  }
0x90: {  	s2 =	sld [smem:$0x3FC8]  }
0x91: {  	s18 =	sld [smem:$0x3FD0];
	(tm) =	ssettm $0x1  }
0x92: {  	s4 =	sld [smem:$0x3FFB];
	_ =	sdelay $0x3  }
0x93: {  	_ =	strace s4  }
0x94: {  	s4 =	sld [smem:$0x3FFC];
	_ =	sdelay $0x3  }
0x95: {  	_ =	strace s4  }
0x96: {  	s4 =	sld [smem:$0x3FFD];
	_ =	sdelay $0x3  }
0x97: {  	_ =	strace s4  }
0x98: {  	_ =	strace $0x8FFFFFFF  }
0x99: {  	s19 =	sld [smem:$0x3FDB];
	_ =	sdelay $0x1  }
0x9a: {  	s5 =	simm.s32 $_scs_section_size  }
0x9b: {  	s6 =	simm.s32 $_size__tile_overlayer_lowered;
	s7 =	simm.s32 $_tile_overlayer_lowered  }
0x9c: {  	s22 =	simm.s32 $0x1BFF;
	s21 =	sshll.u32 s7, $0x1;
	s4 =	sadd.s32 s5, s19  }
0x9d: {  	s8 =	simm.s32 $0x0;
	s20 =	sshll.u32 s6, $0x1;
	s6 =	sadd.s32 s21, s4  }
0x9e: {  	[timem:s8], [sflag:s22] =	dma.local [hbm:s6], s20  }
0x9f: {  	_ =	swait.ge [sflag:s22], s20  }
0xa0: {  	s5 =	ssub.s32 $0x0, s20;
	[sflag:s22] =	ssyncset.done $0x0  }
0xa1: {  	[sflag:s22] =	ssyncadd.s32 s5;
	_ =	sdelay $0x1  }
0xa2: {  	s23 =	simm.s32 $0x1B8B  }
0xa3: {  	_ =	swait.ge [sflag:s23], $0x1  }
0xa4: {  	[sflag:s23] =	ssyncset.done $0x0  }
0xa5: {  	s25 =	simm.s32 $0x1B8E;
	s24 =	sld [smem:$0x3FFE];
	[sflag:s23] =	ssyncadd.s32 $0xFFFFFFFF  }
0xa6: {  	s26 =	simm.s32 $execute0_lowered;
	[smem:$0x3FD2] =	sst s25  }
0xa7: {  	s6 =	sshll.u32 s26, $0x1;
	_ =	strace $0x80000046;
	[dreg:$0x1] =	wrdreg $0xFFFFFFFF  }
0xa8: {  	s28 =	simm.s32 $_size_execute0_lowered;
	s4 =	sadd.s32 s4, s6;
	[dreg:$0x0] =	wrdreg $0x0  }
0xa9: {  	s6 =	sshll.u32 s28, $0x1;
	[dreg:$0x2] =	wrdreg s4  }
0xaa: {  	[dreg:$0x3] =	wrdreg s6  }
0xab: {  	[dreg:$0x4] =	wrdreg $0xC0  }
0xac: {  	_ =	task [dreg:s8], $0x5FFFF  }
0xad: {  	[dreg:$0x1] =	wrdreg $0xFFFFFFFF  }
0xae: {  	[dreg:$0x0] =	wrdreg $0x60  }
0xaf: {  	[dreg:$0x2] =	wrdreg s2  }
0xb0: {  	[dreg:$0x3] =	wrdreg s18  }
0xb1: {  	[dreg:$0x4] =	wrdreg s24  }
0xb2: {  	[dreg:$0x5] =	wrdreg $0x9  }
0xb3: {  	_ =	task.clear_ibuf [dreg:s8], $0x6FFFF;
	_ =	strace $0x90000046  }
0xb4: {  	s29 =	simm.s32 $0x9;
	_ =	strace $0x80000048  }
0xb5: {  	_ =	swait.ge [sflag:s29], $0x1  }
0xb6: {  	[sflag:s29] =	ssyncadd.s32 $0xFFFFFFFF  }
0xb7: {  	_ =	strace $0x90000048  }
0xb8: {  	_ =	sfence  }
0xb9: {  	s30 =	sld [smem:$0x0];
	_ =	sdelay $0x2  }
0xba: {  	s31 =	sshll.u32 s1, $0xD;
	s1 =	sshrl.u32 s1, $0x2  }
0xbb: {  	s3 =	sand.u32 $0x4000, s31;
	s1 =	sadd.s32 s1, s30  }
0xbc: {  	s0 =	sor.u32 s3, s0;
	s1 =	sshll.u32 s1, $0x11  }
0xbd: {  	s0 =	sor.u32 s1, s0  }
0xbe: {  	s0 =	sadd.s32 $0x8F2B, s0  }
0xbf: {  	[sflag:s0] =	ssyncadd.remote.s32 $0x1  }
0xc0: {  	_ =	sfence.sel $0xFFFF  }
0xc1: {  	[dreg:$0x0] =	wrdreg $0xFFFFFFFF;
	(pc) =	sbr.abs _section_cstart, $3  }
0xc2: {  	[dreg:$0x1] =	wrdreg $0xFFFFFFFF  }
0xc3: {  	_ =	task.clear_ibuf [dreg:s8], $0x2FFFF;
	_ =	strace $0x9FFFFFFF  }
0xc4: {  	(tm) =	ssettm $0x7FFFFFFF  }
0xc5: {  	_ =	shalt  }
tec
execute0_lowered:
.L_overlay_start_1:
0x0: {  	(tag) =	ssettag $0x1  }
0x1: {  	s7 =	rddreg [dreg:$0x0]  }
0x2: {  	s1 =	rddreg [dreg:$0x1]  }
0x3: {  	s9 =	rddreg [dreg:$0x2]  }
0x4: {  	s0 =	rddreg [dreg:$0x3];
	s4 =	srdreg.scid;
	s3 =	simm.s32 $0x0  }
0x5: {  	s2 =	stileid.u32;
	s13 =	simm.s32 $0x1000;
	s14 =	simm.s32 $0x1  }
0x6: {  	s15 =	simm.s32 $0x2000;
	s16 =	simm.s32 $0x2;
	s17 =	simm.s32 $0x4  }
0x7: {  	s18 =	simm.s32 $0x3000;
	s19 =	simm.s32 $0x3;
	s20 =	simm.s32 $0x5  }
0x8: {  	s4 =	sand.u32 $0x1, s4;
	[smem:$0x7FF] =	sst s3;
	s6 =	sshll.u32 s2, $0x1  }
0x9: {  	s10 =	sadd.s32 $0xA00, s9;
	s9 =	sadd.s32 $0x3D1200, s9;
	p0 =	sgt.u32 s2, $0x1  }
0xa: {  	s5 =	ssub.s32 $0x2, s4;
	_ =	strace $0x80000047;
	s21 =	sor.u32 s4, s6  }
0xb: {  	s8 =	sshrl.u32 s5, $0x1;
	s4 =	sshll.u32 s21, $0x7;
	s30 =	sshll.u32 s21, $0x9  }
.Ltmp0:
0xc: {  	s6 =	sor.u32 $0x1E80, s21;
	p1 =	sne.s32 s21, $0x4;
	(pc) =	sbr.rel .LBB2_1-.Ltmp0, $4  }
0xd: {  	v0 =	vlaneseq.u32;
	s21 =	simm.s32 $0x0;
	s11 =	ssub.s32 s5, s8;
	s4 =	sadd.s32 s7, s4  }
0xe: {  	v0 =	vmul.u32 $0x80, v0;
	s5 =	sadd.s32 s10, s30;
	s31 =	sshll.u32 s6, $0x7;
	s12 =	sshll.u32 s6, $0x9  }
0xf: {  	s6 =	sadd.s32 $0x2000, s4;
	s7 =	sadd.s32 s7, s31;
	s8 =	sadd.s32 s10, s12  }
0x10: {  	v1 =	vor.u32 $0x800, v0;
	s10 =	smax.u32 s11, $0x1;
	s11 =	simm.s32 $0x400;
	s12 =	simm.s32 $0x7A1400  }
.LBB2_15:
0x11: {  	s22 =	simm.s32 @!p1 $0x0;
	s23 =	simm.s32 @!p1 $0x2000;
	s24 =	simm.s32 @!p1 $0x5  }
0x12: {  	[tilespmem:s23], [sflag:$0x5] =	stream.linear.gather @!p1 [hbm4b:s1+s22], $0x800, $0x38;
	[tilespmem:$0x4000] =	vst v63  }
0x13: {  	s21 =	sadd.s32 $0x1, s21;
	_ =	swait.ge @!p1 [sflag:s24], $0x800  }
0x14: {  	p2 =	sne.s32 s21, s10;
	[sflag:s24] =	ssyncset.done @!p1 $0x0  }
.Ltmp1:
0x15: {  	[sflag:s24] =	ssyncadd.s32 @!p1 $0xFFFFF800;
	(pc) =	sbr.rel @!p2 .LBB2_16-.Ltmp1, $4  }
0x16: {  	[hbm4b:s9+s22] =	stream.linear.scatter @!p1 [tilespmem:s23], [sflag:$0x5], $0x800, $0x38;
	[tilespmem:$0x4000] =	vst v63  }
0x17: {  	_ =	swait.ge @!p1 [sflag:s24], $0x800  }
0x18: {  	[sflag:s24] =	ssyncset.done @!p1 $0x0  }
0x19: {  	[sflag:s24] =	ssyncadd.s32 @!p1 $0xFFFFF800  }
.LBB2_1:
0x1a: {  	[tilespmem:s3], [sflag:$0x1] =	stream.strided.gather [hbm4b:s4+s11], $0x1000, s12, s11, $0x38;
	[tilespmem:$0x4000] =	vst v63  }
0x1b: {  	s22 =	simm.s32 $0x0  }
.LBB2_2:
0x1c: {  	s23 =	sshllo.u32 s22, $0x1;
	s25 =	simm.s32 $0x0  }
0x1d: {  	s31 =	simm.s32 $0x1;
	s24 =	sshll.u32 s23, $0xC;
	v2 =	vmov s25  }
0x1e: {  	s26 =	simm.s32 $0x2;
	v3 =	vmov s31;
	s24 =	sadd.s32 s24, s4;
	v2 =	vand.u32 $0x7C, v2  }
0x1f: {  	v3 =	vand.u32 $0x7D, v3;
	[tilespmem:s13], [sflag:$0x2] =	stream.strided.gather [hbm4b:s24+s11], $0x1000, s12, s11, $0x38;
	v2 =	vbroadcast v2, $0x0;
	[tilespmem:$0x4000] =	vst v63  }
0x20: {  	v4 =	vmov s26;
	v3 =	vbroadcast v3, $0x0;
	_ =	swait.ge [sflag:s14], $0x1000  }
0x21: {  	p2 =	seq.s32 s22, $0x0;
	v4 =	vand.u32 $0x7E, v4;
	[sflag:s14] =	ssyncset.done $0x0;
	v5 =	vor.u32 v0, v2  }
0x22: {  	s29 =	simm.s32 $0x3;
	s24 =	simm.s32 @!p2 $0x3;
	v4 =	vbroadcast v4, $0x0;
	v6 =	vor.u32 v0, v3;
	[sflag:s14] =	ssyncadd.s32 $0xFFFFF000  }
0x23: {  	s30 =	simm.s32 $0x4;
	v7 =	vmov s29;
	v3 =	vor.u32 v1, v3;
	_ =	swait.ge @!p2 [sflag:s24], $0x1000  }
0x24: {  	v9 =	vmov s30;
	v7 =	vand.u32 $0x7F, v7;
	v8 =	vor.u32 v0, v4;
	[sflag:s24] =	ssyncset.done @!p2 $0x0  }
0x25: {  	s31 =	simm.s32 $0x5;
	v9 =	vand.u32 $0x7C, v9;
	v7 =	vbroadcast v7, $0x0;
	v4 =	vor.u32 v1, v4;
	[sflag:s24] =	ssyncadd.s32 @!p2 $0xFFFFF000  }
0x26: {  	v10 =	vmov s31;
	v9 =	vbroadcast v9, $0x0;
	v2 =	vor.u32 v1, v2;
	v5 =	vld.idx.msk [tilespmem:v5+s3+$0x0], $0xffff  }
0x27: {  	s25 =	simm.s32 $0x6;
	v10 =	vand.u32 $0x7D, v10;
	v11 =	vor.u32 v1, v7;
	v6 =	vld.idx.msk [tilespmem:v6+s3+$0x0], $0xffff  }
0x28: {  	v12 =	vmov s25;
	v10 =	vbroadcast v10, $0x0;
	v13 =	vor.u32 v0, v9;
	v3 =	vld.idx.msk [tilespmem:v3+s3+$0x0], $0xffff  }
0x29: {  	v12 =	vand.u32 $0x7E, v12;
	v7 =	vor.u32 v0, v7;
	v8 =	vld.idx.msk [tilespmem:v8+s3+$0x0], $0xffff  }
0x2a: {  	s26 =	simm.s32 $0x7;
	v12 =	vbroadcast v12, $0x0;
	v14 =	vor.u32 v0, v10;
	v10 =	vor.u32 v1, v10;
	v4 =	vld.idx.msk [tilespmem:v4+s3+$0x0], $0xffff  }
0x2b: {  	s29 =	simm.s32 $0x8;
	v17 =	vor.u32 v1, v9;
	s24 =	simm.s32 $0x2040;
	v16 =	vld.idx.msk [tilespmem:v2+s3+$0x0], $0xffff;
	v2 =	vmov s26  }
0x2c: {  	v9 =	vor.u32 v0, v12;
	v18 =	vld.idx.msk [tilespmem:v11+s3+$0x0], $0xffff;
	v2 =	vand.u32 $0x7F, v2;
	[tilespmem:s24+$0xFFFFFFC0] =	vst v5;
	v5 =	vmov s29  }
0x2d: {  	s30 =	simm.s32 $0x9;
	v19 =	vld.idx.msk [tilespmem:v13+s3+$0x0], $0xffff;
	v13 =	vor.u32 v1, v12;
	s26 =	simm.s32 $0xA;
	[tilespmem:s24+$0xFFFFFFE0] =	vst v6;
	v6 =	vbroadcast v2, $0x0;
	v2 =	vand.u32 $0x7C, v5  }
0x2e: {  	v11 =	vmov s30;
	[tilespmem:s24+$0xFFFFFFF0] =	vst v3;
	v3 =	vmov s26;
	v5 =	vld.idx.msk [tilespmem:v7+s3+$0x0], $0xffff;
	v7 =	vbroadcast v2, $0x0  }
0x2f: {  	v11 =	vand.u32 $0x7D, v11;
	[tilespmem:s24+$0x0] =	vst v8;
	v12 =	vand.u32 $0x7E, v3;
	v3 =	vld.idx.msk [tilespmem:v10+s3+$0x0], $0xffff;
	v8 =	vor.u32 v1, v6  }
0x30: {  	[tilespmem:s24+$0x10] =	vst v4;
	v2 =	vld.idx.msk [tilespmem:v14+s3+$0x0], $0xffff;
	v14 =	vbroadcast v11, $0x0;
	v10 =	vor.u32 v0, v7  }
0x31: {  	s31 =	simm.s32 $0xB;
	[tilespmem:s24+$0xFFFFFFD0] =	vst v16;
	v4 =	vor.u32 v0, v6;
	v15 =	vbroadcast v12, $0x0;
	v6 =	vld.idx.msk [tilespmem:v9+s3+$0x0], $0xffff  }
0x32: {  	s25 =	simm.s32 $0x20C0;
	v16 =	vmov s31;
	[tilespmem:s24+$0x30] =	vst v18;
	v12 =	vor.u32 v1, v7;
	v11 =	vor.u32 v0, v14;
	v7 =	vld.idx.msk [tilespmem:v13+s3+$0x0], $0xffff  }
0x33: {  	s28 =	simm.s32 $0xC;
	s26 =	simm.s32 $0x10;
	[tilespmem:s25+$0xFFFFFFC0] =	vst v19;
	v16 =	vand.u32 $0x7F, v16;
	v13 =	vor.u32 v1, v14;
	v9 =	vor.u32 v0, v15;
	v14 =	vld.idx.msk [tilespmem:v17+s3+$0x0], $0xffff  }
.LBB2_3:
0x34: {  	v17 =	vmov s28;
	s29 =	sadd.s32 $0x2, s28;
	s26 =	sadd.s32 $0x8, s26;
	v16 =	vbroadcast v16, $0x0;
	v18 =	vld.idx.msk [tilespmem:v8+s3+$0x0], $0xffff;
	[tilespmem:s24+$0x20] =	vst v5;
	v19 =	vmov v12;
	s24 =	smov.u32 s25  }
0x35: {  	s30 =	sadd.s32 $0x1, s28;
	v20 =	vor.u32 v1, v15;
	v5 =	vand.u32 $0x7C, v17;
	v12 =	vmov s29;
	p3 =	slt.u32 s26, $0xF8;
	v17 =	vld.idx.msk [tilespmem:v10+s3+$0x0], $0xffff;
	[tilespmem:s25+$0xFFFFFFE0] =	vst v2  }
0x36: {  	v2 =	vmov s30;
	v15 =	vbroadcast v5, $0x0;
	v8 =	vor.u32 v1, v16;
	[tilespmem:s25+$0xFFFFFFF0] =	vst v3;
	v5 =	vld.idx.msk [tilespmem:v4+s3+$0x0], $0xffff  }
.Ltmp2:
0x37: {  	v3 =	vand.u32 $0x7D, v2;
	v21 =	vand.u32 $0x7E, v12;
	v2 =	vld.idx.msk [tilespmem:v11+s3+$0x0], $0xffff;
	[tilespmem:s25+$0x0] =	vst v6;
	(pc) =	sbr.rel @p3 .LBB2_3-.Ltmp2, $4  }
0x38: {  	v4 =	vor.u32 v0, v16;
	v22 =	vbroadcast v3, $0x0;
	v10 =	vor.u32 v0, v15;
	v3 =	vld.idx.msk [tilespmem:v13+s3+$0x0], $0xffff;
	[tilespmem:s25+$0x10] =	vst v7  }
0x39: {  	s29 =	sadd.s32 $0x3, s28;
	v12 =	vor.u32 v1, v15;
	v15 =	vbroadcast v21, $0x0;
	v6 =	vld.idx.msk [tilespmem:v9+s3+$0x0], $0xffff;
	[tilespmem:s25+$0xFFFFFFD0] =	vst v14  }
0x3a: {  	v11 =	vor.u32 v0, v22;
	v14 =	vmov s29;
	s25 =	sadd.s32 $0x80, s25;
	v7 =	vld.idx.msk [tilespmem:v20+s3+$0x0], $0xffff;
	[tilespmem:s24+$0x30] =	vst v18  }
0x3b: {  	s28 =	sadd.s32 $0x4, s28;
	v13 =	vor.u32 v1, v22;
	v9 =	vor.u32 v0, v15;
	v16 =	vand.u32 $0x7F, v14;
	[tilespmem:s25+$0xFFFFFFC0] =	vst v17;
	v14 =	vld.idx.msk [tilespmem:v19+s3+$0x0], $0xffff  }
0x3c: {  	_ =	sdelay $0x2  }
0x3d: {  	[tilespmem:s24+$0x20] =	vst v5  }
0x3e: {  	v56 =	vld.idx.msk [tilespmem:v8+s3+$0x0], $0xffff;
	[tilespmem:s25+$0xFFFFFFE0] =	vst v2  }
0x3f: {  	v2 =	vbroadcast v16, $0x0;
	v57 =	vld.idx.msk [tilespmem:v10+s3+$0x0], $0xffff;
	[tilespmem:s25+$0xFFFFFFF0] =	vst v3  }
0x40: {  	v58 =	vor.u32 v1, v15;
	v60 =	vld.idx.msk [tilespmem:v11+s3+$0x0], $0xffff;
	[tilespmem:s25+$0x0] =	vst v6  }
0x41: {  	v3 =	vld.idx.msk [tilespmem:v4+s3+$0x0], $0xffff;
	v59 =	vor.u32 v1, v2;
	[tilespmem:s25+$0x10] =	vst v7  }
0x42: {  	v61 =	vld.idx.msk [tilespmem:v13+s3+$0x0], $0xffff;
	v2 =	vor.u32 v0, v2;
	[tilespmem:s25+$0xFFFFFFD0] =	vst v14  }
0x43: {  	v9 =	vld.idx.msk [tilespmem:v9+s3+$0x0], $0xffff;
	s29 =	sadd.s32 $0x80, s25;
	[tilespmem:s25+$0x30] =	vst v56  }
0x44: {  	v63 =	vld.idx.msk [tilespmem:v12+s3+$0x0], $0xffff;
	[tilespmem:s29+$0xFFFFFFC0] =	vst v57  }
0x45: {  	v62 =	vld.idx.msk [tilespmem:v58+s3+$0x0], $0xffff;
	[tilespmem:s29+$0xFFFFFFE0] =	vst v60  }
0x46: {  	[tilespmem:s25+$0x20] =	vst v3;
	v3 =	vld.idx.msk [tilespmem:v59+s3+$0x0], $0xffff  }
0x47: {  	[tilespmem:s29+$0xFFFFFFF0] =	vst v61;
	v2 =	vld.idx.msk [tilespmem:v2+s3+$0x0], $0xffff  }
0x48: {  	p3 =	sne.s32 s22, $0x79;
	[tilespmem:s29+$0x0] =	vst v9  }
.Ltmp3:
0x49: {  	[tilespmem:s29+$0xFFFFFFD0] =	vst v63;
	(pc) =	sbr.rel @p3 .LBB2_6-.Ltmp3, $4  }
0x4a: {  	[tilespmem:s29+$0x10] =	vst v62  }
0x4b: {  	s30 =	sshll.u32 s22, $0xF;
	[tilespmem:s29+$0x30] =	vst v3  }
0x4c: {  	s31 =	sadd.s32 s30, s5;
	[tilespmem:s29+$0x20] =	vst v2  }
0x4d: {  	[hbm4b:s31+s3] =	stream.linear.scatter [tilespmem:s15], [sflag:$0x3], $0x1000, $0x38;
	[tilespmem:$0x4000] =	vst v63  }
.Ltmp4:
0x4e: {  	(pc) =	sbr.rel .LBB2_7-.Ltmp4, $4  }
0x4f: {  	_ = 	snop  }
0x50: {  	_ =	swait.ge [sflag:s16], $0x1000  }
0x51: {  	[sflag:s16] =	ssyncset.done $0x0  }
0x52: {  	[sflag:s16] =	ssyncadd.s32 $0xFFFFF000  }
.LBB2_6:
0x53: {  	s24 =	sshll.u32 s22, $0xD  }
.Ltmp5:
0x54: {  	s24 =	sadd.s32 s24, s6;
	(pc) =	sbr.rel @p2 .LBB2_8-.Ltmp5, $4  }
0x55: {  	[tilespmem:s3], [sflag:$0x1] =	stream.strided.gather [hbm4b:s24+s11], $0x1000, s12, s11, $0x38;
	[tilespmem:$0x4000] =	vst v63  }
0x56: {  	_ =	swait.ge [sflag:s16], $0x1000  }
0x57: {  	[sflag:s16] =	ssyncset.done $0x0  }
0x58: {  	[sflag:s16] =	ssyncadd.s32 $0xFFFFF000  }
.LBB2_7:
0x59: {  	_ =	swait.ge [sflag:s17], $0x1000  }
0x5a: {  	[sflag:s17] =	ssyncset.done $0x0  }
0x5b: {  	[sflag:s17] =	ssyncadd.s32 $0xFFFFF000  }
.LBB2_8:
0x5c: {  	s24 =	simm.s32 $0x0  }
0x5d: {  	s26 =	simm.s32 $0x1;
	v2 =	vmov s24  }
0x5e: {  	v3 =	vmov s26;
	v2 =	vand.u32 $0x7C, v2  }
0x5f: {  	s29 =	simm.s32 $0x2;
	v3 =	vand.u32 $0x7D, v3;
	v2 =	vbroadcast v2, $0x0  }
0x60: {  	v4 =	vmov s29;
	v3 =	vbroadcast v3, $0x0  }
0x61: {  	v4 =	vand.u32 $0x7E, v4;
	v5 =	vor.u32 v0, v2  }
0x62: {  	s30 =	simm.s32 $0x3;
	v4 =	vbroadcast v4, $0x0;
	v6 =	vor.u32 v0, v3  }
0x63: {  	s31 =	simm.s32 $0x4;
	v7 =	vmov s30;
	v3 =	vor.u32 v1, v3  }
0x64: {  	v9 =	vmov s31;
	v7 =	vand.u32 $0x7F, v7;
	v8 =	vor.u32 v0, v4  }
0x65: {  	s25 =	simm.s32 $0x5;
	v9 =	vand.u32 $0x7C, v9;
	v7 =	vbroadcast v7, $0x0;
	v4 =	vor.u32 v1, v4  }
0x66: {  	v10 =	vmov s25;
	v9 =	vbroadcast v9, $0x0;
	v2 =	vor.u32 v1, v2;
	v5 =	vld.idx.msk [tilespmem:v5+s13+$0x0], $0xffff  }
0x67: {  	s26 =	simm.s32 $0x6;
	v10 =	vand.u32 $0x7D, v10;
	v11 =	vor.u32 v1, v7;
	v6 =	vld.idx.msk [tilespmem:v6+s13+$0x0], $0xffff  }
0x68: {  	v12 =	vmov s26;
	v10 =	vbroadcast v10, $0x0;
	v13 =	vor.u32 v0, v9;
	v3 =	vld.idx.msk [tilespmem:v3+s13+$0x0], $0xffff  }
0x69: {  	v12 =	vand.u32 $0x7E, v12;
	v7 =	vor.u32 v0, v7;
	v8 =	vld.idx.msk [tilespmem:v8+s13+$0x0], $0xffff  }
0x6a: {  	s25 =	simm.s32 $0x7;
	v12 =	vbroadcast v12, $0x0;
	v14 =	vor.u32 v0, v10;
	v10 =	vor.u32 v1, v10;
	v4 =	vld.idx.msk [tilespmem:v4+s13+$0x0], $0xffff  }
0x6b: {  	s24 =	simm.s32 $0x3070;
	s29 =	simm.s32 $0x8;
	v17 =	vor.u32 v1, v9;
	v16 =	vld.idx.msk [tilespmem:v2+s13+$0x0], $0xffff;
	v2 =	vmov s25  }
0x6c: {  	v9 =	vor.u32 v0, v12;
	v18 =	vld.idx.msk [tilespmem:v11+s13+$0x0], $0xffff;
	v2 =	vand.u32 $0x7F, v2;
	[tilespmem:s24+$0xFFFFFF90] =	vst v5;
	v5 =	vmov s29  }
0x6d: {  	s30 =	simm.s32 $0x9;
	s26 =	simm.s32 $0xA;
	v19 =	vld.idx.msk [tilespmem:v13+s13+$0x0], $0xffff;
	v13 =	vor.u32 v1, v12;
	[tilespmem:s24+$0xFFFFFFB0] =	vst v6;
	v6 =	vbroadcast v2, $0x0;
	v2 =	vand.u32 $0x7C, v5  }
0x6e: {  	v11 =	vmov s30;
	[tilespmem:s24+$0xFFFFFFC0] =	vst v3;
	v3 =	vmov s26;
	v5 =	vld.idx.msk [tilespmem:v7+s13+$0x0], $0xffff;
	v7 =	vbroadcast v2, $0x0  }
0x6f: {  	v11 =	vand.u32 $0x7D, v11;
	[tilespmem:s24+$0xFFFFFFD0] =	vst v8;
	v12 =	vand.u32 $0x7E, v3;
	v3 =	vld.idx.msk [tilespmem:v10+s13+$0x0], $0xffff;
	v8 =	vor.u32 v1, v6  }
0x70: {  	[tilespmem:s24+$0xFFFFFFE0] =	vst v4;
	v2 =	vld.idx.msk [tilespmem:v14+s13+$0x0], $0xffff;
	v14 =	vbroadcast v11, $0x0;
	v10 =	vor.u32 v0, v7  }
0x71: {  	s31 =	simm.s32 $0xB;
	[tilespmem:s24+$0xFFFFFFA0] =	vst v16;
	v4 =	vor.u32 v0, v6;
	v15 =	vbroadcast v12, $0x0;
	v6 =	vld.idx.msk [tilespmem:v9+s13+$0x0], $0xffff  }
0x72: {  	s25 =	simm.s32 $0x30F0;
	v16 =	vmov s31;
	[tilespmem:s24+$0x0] =	vst v18;
	v12 =	vor.u32 v1, v7;
	v11 =	vor.u32 v0, v14;
	v7 =	vld.idx.msk [tilespmem:v13+s13+$0x0], $0xffff  }
0x73: {  	s28 =	simm.s32 $0xC;
	s26 =	simm.s32 $0x10;
	[tilespmem:s25+$0xFFFFFF90] =	vst v19;
	v16 =	vand.u32 $0x7F, v16;
	v13 =	vor.u32 v1, v14;
	v9 =	vor.u32 v0, v15;
	v14 =	vld.idx.msk [tilespmem:v17+s13+$0x0], $0xffff  }
.LBB2_9:
0x74: {  	v17 =	vmov s28;
	s29 =	sadd.s32 $0x2, s28;
	s26 =	sadd.s32 $0x8, s26;
	v16 =	vbroadcast v16, $0x0;
	v18 =	vld.idx.msk [tilespmem:v8+s13+$0x0], $0xffff;
	[tilespmem:s24+$0xFFFFFFF0] =	vst v5;
	v19 =	vmov v12;
	s24 =	smov.u32 s25  }
0x75: {  	s30 =	sadd.s32 $0x1, s28;
	v20 =	vor.u32 v1, v15;
	v5 =	vand.u32 $0x7C, v17;
	v12 =	vmov s29;
	p2 =	slt.u32 s26, $0xF8;
	v17 =	vld.idx.msk [tilespmem:v10+s13+$0x0], $0xffff;
	[tilespmem:s25+$0xFFFFFFB0] =	vst v2  }
0x76: {  	v2 =	vmov s30;
	v15 =	vbroadcast v5, $0x0;
	v8 =	vor.u32 v1, v16;
	[tilespmem:s25+$0xFFFFFFC0] =	vst v3;
	v5 =	vld.idx.msk [tilespmem:v4+s13+$0x0], $0xffff  }
.Ltmp6:
0x77: {  	v3 =	vand.u32 $0x7D, v2;
	v21 =	vand.u32 $0x7E, v12;
	v2 =	vld.idx.msk [tilespmem:v11+s13+$0x0], $0xffff;
	[tilespmem:s25+$0xFFFFFFD0] =	vst v6;
	(pc) =	sbr.rel @p2 .LBB2_9-.Ltmp6, $4  }
0x78: {  	v4 =	vor.u32 v0, v16;
	v22 =	vbroadcast v3, $0x0;
	v10 =	vor.u32 v0, v15;
	v3 =	vld.idx.msk [tilespmem:v13+s13+$0x0], $0xffff;
	[tilespmem:s25+$0xFFFFFFE0] =	vst v7  }
0x79: {  	s29 =	sadd.s32 $0x3, s28;
	v12 =	vor.u32 v1, v15;
	v15 =	vbroadcast v21, $0x0;
	v6 =	vld.idx.msk [tilespmem:v9+s13+$0x0], $0xffff;
	[tilespmem:s25+$0xFFFFFFA0] =	vst v14  }
0x7a: {  	v11 =	vor.u32 v0, v22;
	v14 =	vmov s29;
	s25 =	sadd.s32 $0x80, s25;
	v7 =	vld.idx.msk [tilespmem:v20+s13+$0x0], $0xffff;
	[tilespmem:s24+$0x0] =	vst v18  }
0x7b: {  	s28 =	sadd.s32 $0x4, s28;
	v13 =	vor.u32 v1, v22;
	v9 =	vor.u32 v0, v15;
	v16 =	vand.u32 $0x7F, v14;
	[tilespmem:s25+$0xFFFFFF90] =	vst v17;
	v14 =	vld.idx.msk [tilespmem:v19+s13+$0x0], $0xffff  }
0x7c: {  	_ =	sdelay $0x2  }
0x7d: {  	[tilespmem:s24+$0xFFFFFFF0] =	vst v5  }
0x7e: {  	v56 =	vld.idx.msk [tilespmem:v8+s13+$0x0], $0xffff;
	[tilespmem:s25+$0xFFFFFFB0] =	vst v2  }
0x7f: {  	v2 =	vbroadcast v16, $0x0;
	v57 =	vld.idx.msk [tilespmem:v10+s13+$0x0], $0xffff;
	[tilespmem:s25+$0xFFFFFFC0] =	vst v3  }
0x80: {  	v58 =	vor.u32 v1, v15;
	v60 =	vld.idx.msk [tilespmem:v11+s13+$0x0], $0xffff;
	[tilespmem:s25+$0xFFFFFFD0] =	vst v6  }
0x81: {  	v3 =	vld.idx.msk [tilespmem:v4+s13+$0x0], $0xffff;
	v59 =	vor.u32 v1, v2;
	[tilespmem:s25+$0xFFFFFFE0] =	vst v7  }
0x82: {  	v61 =	vld.idx.msk [tilespmem:v13+s13+$0x0], $0xffff;
	v2 =	vor.u32 v0, v2;
	[tilespmem:s25+$0xFFFFFFA0] =	vst v14  }
0x83: {  	v9 =	vld.idx.msk [tilespmem:v9+s13+$0x0], $0xffff;
	s31 =	sadd.s32 $0x80, s25;
	[tilespmem:s25+$0x0] =	vst v56  }
0x84: {  	v63 =	vld.idx.msk [tilespmem:v12+s13+$0x0], $0xffff;
	[tilespmem:s31+$0xFFFFFF90] =	vst v57  }
0x85: {  	v62 =	vld.idx.msk [tilespmem:v58+s13+$0x0], $0xffff;
	[tilespmem:s31+$0xFFFFFFB0] =	vst v60  }
0x86: {  	[tilespmem:s25+$0xFFFFFFF0] =	vst v3;
	v3 =	vld.idx.msk [tilespmem:v59+s13+$0x0], $0xffff  }
0x87: {  	s22 =	sadd.s32 $0x1, s22;
	[tilespmem:s31+$0xFFFFFFC0] =	vst v61;
	v2 =	vld.idx.msk [tilespmem:v2+s13+$0x0], $0xffff  }
0x88: {  	p2 =	sne.s32 s22, $0x7A;
	[tilespmem:s31+$0xFFFFFFD0] =	vst v9  }
.Ltmp7:
0x89: {  	[tilespmem:s31+$0xFFFFFFA0] =	vst v63;
	(pc) =	sbr.rel @p2 .LBB2_2-.Ltmp7, $4  }
0x8a: {  	[tilespmem:s31+$0xFFFFFFE0] =	vst v62  }
0x8b: {  	s23 =	sshll.u32 s23, $0xE;
	[tilespmem:s31+$0x0] =	vst v3  }
0x8c: {  	s23 =	sadd.s32 s23, s5;
	[tilespmem:s31+$0xFFFFFFF0] =	vst v2  }
0x8d: {  	[hbm4b:s23+s3] =	stream.linear.scatter [tilespmem:s18], [sflag:$0x4], $0x1000, $0x38;
	[tilespmem:$0x4000] =	vst v63  }
0x8e: {  	_ =	swait.ge [sflag:s19], $0x1000  }
.Ltmp8:
0x8f: {  	[sflag:s19] =	ssyncset.done $0x0;
	(pc) =	sbr.rel @p0 .LBB2_15-.Ltmp8, $4  }
0x90: {  	[sflag:s19] =	ssyncadd.s32 $0xFFFFF000  }
0x91: {  	_ =	swait.ge [sflag:s17], $0x1000  }
0x92: {  	[sflag:s17] =	ssyncset.done $0x0  }
0x93: {  	[sflag:s17] =	ssyncadd.s32 $0xFFFFF000  }
0x94: {  	s22 =	simm.s32 $0x0  }
0x95: {  	s23 =	simm.s32 $0x1;
	v2 =	vmov s22  }
0x96: {  	v3 =	vmov s23;
	v2 =	vand.u32 $0x7C, v2  }
0x97: {  	s31 =	simm.s32 $0x2;
	v3 =	vand.u32 $0x7D, v3;
	v2 =	vbroadcast v2, $0x0  }
0x98: {  	v4 =	vmov s31;
	v3 =	vbroadcast v3, $0x0  }
0x99: {  	s24 =	simm.s32 $0x4;
	v4 =	vand.u32 $0x7E, v4;
	v5 =	vor.u32 v0, v2  }
0x9a: {  	[tilespmem:s22], [sflag:$0x5] =	stream.strided.gather [hbm4b:s7+s11], $0x1000, s12, s11, $0x38;
	v4 =	vbroadcast v4, $0x0;
	v6 =	vor.u32 v0, v3;
	[tilespmem:$0x4000] =	vst v63  }
0x9b: {  	s23 =	simm.s32 $0x3;
	v9 =	vmov s24;
	_ =	swait.ge [sflag:s20], $0x1000;
	v3 =	vor.u32 v1, v3  }
0x9c: {  	v7 =	vmov s23;
	v9 =	vand.u32 $0x7C, v9;
	[sflag:s20] =	ssyncset.done $0x0;
	v8 =	vor.u32 v0, v4  }
0x9d: {  	s25 =	simm.s32 $0x5;
	v7 =	vand.u32 $0x7F, v7;
	v9 =	vbroadcast v9, $0x0;
	[sflag:s20] =	ssyncadd.s32 $0xFFFFF000;
	v4 =	vor.u32 v1, v4  }
0x9e: {  	v10 =	vmov s25;
	v7 =	vbroadcast v7, $0x0;
	v2 =	vor.u32 v1, v2;
	v5 =	vld.idx.msk [tilespmem:v5+s3+$0x0], $0xffff  }
0x9f: {  	s26 =	simm.s32 $0x6;
	v10 =	vand.u32 $0x7D, v10;
	v13 =	vor.u32 v0, v9;
	v6 =	vld.idx.msk [tilespmem:v6+s3+$0x0], $0xffff  }
0xa0: {  	v12 =	vmov s26;
	v10 =	vbroadcast v10, $0x0;
	v11 =	vor.u32 v1, v7;
	v3 =	vld.idx.msk [tilespmem:v3+s3+$0x0], $0xffff  }
0xa1: {  	v12 =	vand.u32 $0x7E, v12;
	v7 =	vor.u32 v0, v7;
	v8 =	vld.idx.msk [tilespmem:v8+s3+$0x0], $0xffff  }
0xa2: {  	s28 =	simm.s32 $0x7;
	v12 =	vbroadcast v12, $0x0;
	v14 =	vor.u32 v0, v10;
	v10 =	vor.u32 v1, v10;
	v4 =	vld.idx.msk [tilespmem:v4+s3+$0x0], $0xffff  }
0xa3: {  	s29 =	simm.s32 $0x8;
	s22 =	simm.s32 $0x2040;
	v17 =	vor.u32 v1, v9;
	v16 =	vld.idx.msk [tilespmem:v2+s3+$0x0], $0xffff;
	v2 =	vmov s28  }
0xa4: {  	v9 =	vor.u32 v0, v12;
	v19 =	vld.idx.msk [tilespmem:v13+s3+$0x0], $0xffff;
	v2 =	vand.u32 $0x7F, v2;
	[tilespmem:s22+$0xFFFFFFC0] =	vst v5;
	v5 =	vmov s29  }
0xa5: {  	s30 =	simm.s32 $0x9;
	s24 =	simm.s32 $0xA;
	v13 =	vor.u32 v1, v12;
	v18 =	vld.idx.msk [tilespmem:v11+s3+$0x0], $0xffff;
	[tilespmem:s22+$0xFFFFFFE0] =	vst v6;
	v6 =	vbroadcast v2, $0x0;
	v2 =	vand.u32 $0x7C, v5  }
0xa6: {  	v11 =	vmov s30;
	[tilespmem:s22+$0xFFFFFFF0] =	vst v3;
	v3 =	vmov s24;
	v5 =	vld.idx.msk [tilespmem:v7+s3+$0x0], $0xffff;
	v7 =	vbroadcast v2, $0x0  }
0xa7: {  	v11 =	vand.u32 $0x7D, v11;
	[tilespmem:s22+$0x0] =	vst v8;
	v12 =	vand.u32 $0x7E, v3;
	v3 =	vld.idx.msk [tilespmem:v10+s3+$0x0], $0xffff;
	v8 =	vor.u32 v1, v6  }
0xa8: {  	[tilespmem:s22+$0x10] =	vst v4;
	v2 =	vld.idx.msk [tilespmem:v14+s3+$0x0], $0xffff;
	v14 =	vbroadcast v11, $0x0;
	v10 =	vor.u32 v0, v7  }
0xa9: {  	s31 =	simm.s32 $0xB;
	s23 =	simm.s32 $0x20C0;
	[tilespmem:s22+$0xFFFFFFD0] =	vst v16;
	v4 =	vor.u32 v0, v6;
	v15 =	vbroadcast v12, $0x0;
	v6 =	vld.idx.msk [tilespmem:v9+s3+$0x0], $0xffff  }
0xaa: {  	v16 =	vmov s31;
	[tilespmem:s23+$0xFFFFFFC0] =	vst v19;
	v12 =	vor.u32 v1, v7;
	v11 =	vor.u32 v0, v14;
	v7 =	vld.idx.msk [tilespmem:v13+s3+$0x0], $0xffff  }
0xab: {  	s25 =	simm.s32 $0xC;
	s24 =	simm.s32 $0x10;
	[tilespmem:s22+$0x30] =	vst v18;
	v16 =	vand.u32 $0x7F, v16;
	v13 =	vor.u32 v1, v14;
	v9 =	vor.u32 v0, v15;
	v14 =	vld.idx.msk [tilespmem:v17+s3+$0x0], $0xffff  }
.LBB2_13:
0xac: {  	v17 =	vmov s25;
	s26 =	sadd.s32 $0x2, s25;
	s24 =	sadd.s32 $0x8, s24;
	v16 =	vbroadcast v16, $0x0;
	v18 =	vld.idx.msk [tilespmem:v8+s3+$0x0], $0xffff;
	[tilespmem:s22+$0x20] =	vst v5;
	v19 =	vmov v12;
	s22 =	smov.u32 s23  }
0xad: {  	s28 =	sadd.s32 $0x1, s25;
	v20 =	vor.u32 v1, v15;
	v5 =	vand.u32 $0x7C, v17;
	v12 =	vmov s26;
	p2 =	slt.u32 s24, $0xF8;
	v17 =	vld.idx.msk [tilespmem:v10+s3+$0x0], $0xffff;
	[tilespmem:s23+$0xFFFFFFE0] =	vst v2  }
0xae: {  	v2 =	vmov s28;
	v15 =	vbroadcast v5, $0x0;
	v8 =	vor.u32 v1, v16;
	[tilespmem:s23+$0xFFFFFFF0] =	vst v3;
	v5 =	vld.idx.msk [tilespmem:v4+s3+$0x0], $0xffff  }
.Ltmp9:
0xaf: {  	v3 =	vand.u32 $0x7D, v2;
	v21 =	vand.u32 $0x7E, v12;
	v2 =	vld.idx.msk [tilespmem:v11+s3+$0x0], $0xffff;
	[tilespmem:s23+$0x0] =	vst v6;
	(pc) =	sbr.rel @p2 .LBB2_13-.Ltmp9, $4  }
0xb0: {  	v4 =	vor.u32 v0, v16;
	v22 =	vbroadcast v3, $0x0;
	v10 =	vor.u32 v0, v15;
	v3 =	vld.idx.msk [tilespmem:v13+s3+$0x0], $0xffff;
	[tilespmem:s23+$0x10] =	vst v7  }
0xb1: {  	s26 =	sadd.s32 $0x3, s25;
	v12 =	vor.u32 v1, v15;
	v15 =	vbroadcast v21, $0x0;
	v6 =	vld.idx.msk [tilespmem:v9+s3+$0x0], $0xffff;
	[tilespmem:s23+$0xFFFFFFD0] =	vst v14  }
0xb2: {  	v11 =	vor.u32 v0, v22;
	v14 =	vmov s26;
	s23 =	sadd.s32 $0x80, s23;
	v7 =	vld.idx.msk [tilespmem:v20+s3+$0x0], $0xffff;
	[tilespmem:s22+$0x30] =	vst v18  }
0xb3: {  	s25 =	sadd.s32 $0x4, s25;
	v13 =	vor.u32 v1, v22;
	v9 =	vor.u32 v0, v15;
	v16 =	vand.u32 $0x7F, v14;
	[tilespmem:s23+$0xFFFFFFC0] =	vst v17;
	v14 =	vld.idx.msk [tilespmem:v19+s3+$0x0], $0xffff  }
0xb4: {  	_ =	sdelay $0x2  }
0xb5: {  	[tilespmem:s22+$0x20] =	vst v5  }
0xb6: {  	v56 =	vld.idx.msk [tilespmem:v8+s3+$0x0], $0xffff;
	[tilespmem:s23+$0xFFFFFFE0] =	vst v2  }
0xb7: {  	v2 =	vbroadcast v16, $0x0;
	v57 =	vld.idx.msk [tilespmem:v10+s3+$0x0], $0xffff;
	[tilespmem:s23+$0xFFFFFFF0] =	vst v3  }
0xb8: {  	v58 =	vor.u32 v1, v15;
	v60 =	vld.idx.msk [tilespmem:v11+s3+$0x0], $0xffff;
	[tilespmem:s23+$0x0] =	vst v6  }
0xb9: {  	v3 =	vld.idx.msk [tilespmem:v4+s3+$0x0], $0xffff;
	v59 =	vor.u32 v1, v2;
	[tilespmem:s23+$0x10] =	vst v7  }
0xba: {  	v61 =	vld.idx.msk [tilespmem:v13+s3+$0x0], $0xffff;
	v2 =	vor.u32 v0, v2;
	[tilespmem:s23+$0xFFFFFFD0] =	vst v14  }
0xbb: {  	v9 =	vld.idx.msk [tilespmem:v9+s3+$0x0], $0xffff;
	s31 =	sadd.s32 $0x80, s23;
	[tilespmem:s23+$0x30] =	vst v56  }
0xbc: {  	v63 =	vld.idx.msk [tilespmem:v12+s3+$0x0], $0xffff;
	[tilespmem:s31+$0xFFFFFFC0] =	vst v57  }
0xbd: {  	v62 =	vld.idx.msk [tilespmem:v58+s3+$0x0], $0xffff;
	[tilespmem:s31+$0xFFFFFFE0] =	vst v60  }
0xbe: {  	[tilespmem:s23+$0x20] =	vst v3;
	v3 =	vld.idx.msk [tilespmem:v59+s3+$0x0], $0xffff  }
0xbf: {  	[tilespmem:s31+$0xFFFFFFF0] =	vst v61;
	v2 =	vld.idx.msk [tilespmem:v2+s3+$0x0], $0xffff  }
0xc0: {  	[tilespmem:s31+$0x0] =	vst v9  }
0xc1: {  	[tilespmem:s31+$0xFFFFFFD0] =	vst v63  }
0xc2: {  	[tilespmem:s31+$0x10] =	vst v62  }
0xc3: {  	[tilespmem:s31+$0x30] =	vst v3  }
.Ltmp10:
0xc4: {  	[tilespmem:s31+$0x20] =	vst v2;
	(pc) =	sbr.rel .LBB2_15-.Ltmp10, $4  }
0xc5: {  	[hbm4b:s8+s3] =	stream.linear.scatter [tilespmem:s15], [sflag:$0x5], $0x1000, $0x38;
	[tilespmem:$0x4000] =	vst v63  }
0xc6: {  	_ =	swait.ge [sflag:s20], $0x1000  }
0xc7: {  	[sflag:s20] =	ssyncset.done $0x0  }
0xc8: {  	[sflag:s20] =	ssyncadd.s32 $0xFFFFF000  }
.LBB2_16:
0xc9: {  	_ =	sfence.sel $0x180000  }
0xca: {  	[bflag:$0x0] =	sbarrier.arrive $0xFFFF  }
0xcb: {  	p0 =	sne.s32 s2, $0x0;
	_ =	strace $0x90000047  }
0xcc: {  	s0 =	sadd.s32 @!p0 $0x100000, s0;
	[bflag:$0x2] =	sbarrier.arrive $0xFFFF  }
0xcd: {  	[sflag:s0] =	ssyncadd.tile.s32 @!p0 $0x1;
	_ =	shalt  }
.Lfunc_end2:
_tile_overlayer_lowered:
.L_overlay_start_2:
0xce: {  	(tag) =	ssettag $0x2  }
0xcf: {  	s0 =	rddreg [dreg:$0x0];
	s2 =	stileid.u32  }
0xd0: {  	s1 =	rddreg [dreg:$0x1];
	p0 =	sne.s32 s2, $0x0  }
0xd1: {  	s3 =	rddreg [dreg:$0x2];
	[bflag:$0x3] =	sbarrier.arrive $0xFFFF;
	s2 =	simm.s32 @!p0 $0x1C05  }
0xd2: {  	[timem:s3], [sflag:s2] =	dma.local @!p0 [hbm:s0], s1  }
0xd3: {  	s0 =	simm.s32 @!p0 $0x5  }
0xd4: {  	_ =	swait.ge @!p0 [sflag:s0], s1  }
0xd5: {  	s1 =	ssub.s32 @!p0 $0x0, s1;
	[sflag:s0] =	ssyncset.done @!p0 $0x0  }
0xd6: {  	[sflag:s0] =	ssyncadd.s32 @!p0 s1  }
0xd7: {  	[bflag:$0x3] =	sbarrier.arrive $0xFFFF  }
0xd8: {  	_ =	shalt  }

// kernel: _run.7.cloned.1.call-start
scs
__scs_entry_jumppad:
0x0: {  	(pc) =	sbr.rel $0x88, $3  }
0x1: {  	(tag) =	ssettag $0x0;
	lr =	simm.s32 $0x1  }
0x2: {  	[smem:$0x3F9F] =	sst lr;
	_ =	strace $0xD0000000  }
0x3: {  	_ = 	snop  }
0x4: {  	_ = 	snop  }
0x5: {  	_ = 	snop  }
0x6: {  	_ = 	snop  }
0x7: {  	_ = 	snop  }
__scs_overlays_trampoline_lowered:
0x8: {  	[smem:$0x3FAE] =	sst s0  }
0x9: {  	[smem:$0x3FAF] =	sst s1  }
0xa: {  	[smem:$0x3FB0] =	sst s2  }
0xb: {  	[smem:$0x3FB1] =	sst s3  }
0xc: {  	[smem:$0x3FB2] =	sst s4  }
0xd: {  	[smem:$0x3FB3] =	sst s5  }
0xe: {  	[smem:$0x3FB4] =	sst s6  }
0xf: {  	[smem:$0x3FB5] =	sst s7  }
0x10: {  	[smem:$0x3FB6] =	sst s8  }
0x11: {  	[smem:$0x3FB7] =	sst s9;
	s0 =	simm.s32 @!p0 $0x0  }
0x12: {  	s1 =	sld [smem:$0x3F9D];
	s0 =	simm.s32 @p0 $0x1  }
0x13: {  	[smem:$0x3FB8] =	sst s0;
	s0 =	simm.s32 @!p1 $0x0  }
0x14: {  	s2 =	sld [smem:$0x3F9C];
	s0 =	simm.s32 @p1 $0x1  }
0x15: {  	[smem:$0x3FB9] =	sst s0;
	s0 =	simm.s32 @!p2 $0x0  }
0x16: {  	s3 =	sld [smem:$0x3FDB];
	s0 =	simm.s32 @p2 $0x1  }
0x17: {  	s4 =	simm.s32 $0x1BF5;
	[smem:$0x3FBB] =	sst s0  }
0x18: {  	s0 =	sld [smem:$0x3F9E];
	_ =	swait.ge [sflag:s4], $0x0  }
0x19: {  	s7 =	sld [smem:$0x3F9F]  }
0x1a: {  	s8 =	sadd.s32 $0xFFFFE003, lr  }
0x1b: {  	s9 =	sadd.s32 $0xFFFFFEF7, lr;
	s5 =	simm.s32 $0xFFFFFFFF;
	p2 =	slt.u32 s8, $0xFFFFF086  }
0x1c: {  	p1 =	slt.u32 s9, $0xF7A;
	s5 =	simm.s32 @!p2 $0x0  }
0x1d: {  	s5 =	simm.s32 @p1 $0x1;
	p0 =	seq.s32 s7, s2  }
0x1e: {  	s7 =	smul.u32 @!p0 $0xF7A, s2;
	p2 =	seq.s32 @!p0 s5, $0x0  }
0x1f: {  	s9 =	smul.u32 $0xF7A, s1;
	s8 =	simm.s32 @!p0 $0x1BF5;
	p2 =	por !p2, p0  }
0x20: {  	[sflag:s8] =	ssyncset.s32 @!p0 $0xFFFFF086;
	s6 =	sadd.s32 @!p0 s3, s7;
	s7 =	simm.s32 @!p0 $0x108  }
0x21: {  	s3 =	sadd.s32 s3, s9;
	s6 =	sadd.s32 @!p0 $0x88, s6;
	s7 =	simm.s32 @p2 $0x1082  }
0x22: {  	[simem:s7], [sflag:s8] =	dma.local @!p0 [hbm:s6], $0xF7A  }
0x23: {  	s9 =	sor.u32 $0xD0000000, s2;
	s6 =	simm.s32 $0x108;
	_ =	swait.ge @!p0 [sflag:s8], $0x0  }
0x24: {  	s3 =	sadd.s32 $0x88, s3;
	s6 =	simm.s32 @!p1 $0x1082;
	[sflag:s4] =	ssyncset.s32 $0xFFFFF086  }
0x25: {  	[simem:s6], [sflag:s4] =	dma.local [hbm:s3], $0xF7A  }
0x26: {  	[smem:$0x3F9F] =	sst s1;
	(tag) =	ssettag s2;
	_ =	strace s9  }
0x27: {  	s1 =	sld [smem:$0x3FAF]  }
0x28: {  	s2 =	sld [smem:$0x3FB0]  }
0x29: {  	s4 =	sld [smem:$0x3FB2]  }
0x2a: {  	p0 =	seq.s32 s5, $0x0;
	s5 =	sld [smem:$0x3FB3]  }
0x2b: {  	s6 =	sld [smem:$0x3FB4]  }
0x2c: {  	s7 =	sld [smem:$0x3FB5]  }
0x2d: {  	s3 =	simm.s32 $0x108;
	s8 =	sld [smem:$0x3FB6]  }
0x2e: {  	s3 =	simm.s32 @!p0 $0x1082;
	s9 =	sld [smem:$0x3FB7]  }
0x2f: {  	lr =	sadd.s32 s0, s3;
	s0 =	sld [smem:$0x3FAE]  }
0x30: {  	s3 =	sld [smem:$0x3FB1]  }
0x31: {  	[smem:$0x3FBA] =	sst s10  }
0x32: {  	s10 =	sld [smem:$0x3FB8];
	_ =	sdelay $0x3  }
0x33: {  	p0 =	seq.s32 s10, $0x1;
	s10 =	sld [smem:$0x3FBA];
	_ =	sdelay $0x3  }
0x34: {  	[smem:$0x3FBA] =	sst s10  }
0x35: {  	s10 =	sld [smem:$0x3FB9];
	_ =	sdelay $0x3  }
0x36: {  	p1 =	seq.s32 s10, $0x1;
	s10 =	sld [smem:$0x3FBA];
	_ =	sdelay $0x3  }
0x37: {  	[smem:$0x3FBA] =	sst s10  }
0x38: {  	s10 =	sld [smem:$0x3FBB]  }
0x39: {  	_ = 	snop;
	(pc) =	sbr.ind lr, $3  }
0x3a: {  	_ = 	snop  }
0x3b: {  	_ = 	snop  }
0x3c: {  	p2 =	seq.s32 s10, $0x1;
	s10 =	sld [smem:$0x3FBA]  }
0x3d: {  	_ =	shalt  }
0x3e: {  	_ =	shalt  }
0x3f: {  	_ =	shalt  }
0x40: {  	_ =	shalt  }
0x41: {  	_ =	shalt  }
0x42: {  	_ =	shalt  }
0x43: {  	_ =	shalt  }
0x44: {  	_ =	shalt  }
0x45: {  	_ =	shalt  }
0x46: {  	_ =	shalt  }
0x47: {  	_ =	shalt  }
0x48: {  	_ =	shalt  }
0x49: {  	_ =	shalt  }
0x4a: {  	_ =	shalt  }
0x4b: {  	_ =	shalt  }
0x4c: {  	_ =	shalt  }
0x4d: {  	_ =	shalt  }
0x4e: {  	_ =	shalt  }
0x4f: {  	_ =	shalt  }
0x50: {  	_ =	shalt  }
0x51: {  	_ =	shalt  }
0x52: {  	_ =	shalt  }
0x53: {  	_ =	shalt  }
0x54: {  	_ =	shalt  }
0x55: {  	_ =	shalt  }
0x56: {  	_ =	shalt  }
0x57: {  	_ =	shalt  }
0x58: {  	_ =	shalt  }
0x59: {  	_ =	shalt  }
0x5a: {  	_ =	shalt  }
0x5b: {  	_ =	shalt  }
0x5c: {  	_ =	shalt  }
0x5d: {  	_ =	shalt  }
0x5e: {  	_ =	shalt  }
0x5f: {  	_ =	shalt  }
0x60: {  	_ =	shalt  }
0x61: {  	_ =	shalt  }
0x62: {  	_ =	shalt  }
0x63: {  	_ =	shalt  }
0x64: {  	_ =	shalt  }
0x65: {  	_ =	shalt  }
0x66: {  	_ =	shalt  }
0x67: {  	_ =	shalt  }
0x68: {  	_ =	shalt  }
0x69: {  	_ =	shalt  }
0x6a: {  	_ =	shalt  }
0x6b: {  	_ =	shalt  }
0x6c: {  	_ =	shalt  }
0x6d: {  	_ =	shalt  }
0x6e: {  	_ =	shalt  }
0x6f: {  	_ =	shalt  }
0x70: {  	_ =	shalt  }
0x71: {  	_ =	shalt  }
0x72: {  	_ =	shalt  }
0x73: {  	_ =	shalt  }
0x74: {  	_ =	shalt  }
0x75: {  	_ =	shalt  }
0x76: {  	_ =	shalt  }
0x77: {  	_ =	shalt  }
0x78: {  	_ =	shalt  }
0x79: {  	_ =	shalt  }
0x7a: {  	_ =	shalt  }
0x7b: {  	_ =	shalt  }
0x7c: {  	_ =	shalt  }
0x7d: {  	_ =	shalt  }
0x7e: {  	_ =	shalt  }
0x7f: {  	_ =	shalt  }
0x80: {  	_ =	shalt  }
0x81: {  	_ =	shalt  }
0x82: {  	_ =	shalt  }
0x83: {  	_ =	shalt  }
0x84: {  	_ =	shalt  }
0x85: {  	_ =	shalt  }
0x86: {  	_ =	shalt  }
0x87: {  	_ =	shalt  }
.Lfunc_end0:
.L_simem_size_0:
called_computation.1_lowered:
.L_overlay_start_0:
0x88: {  	s2 =	sld [smem:$0x3FD9]  }
0x89: {  	s3 =	sld [smem:$0x3FFE];
	_ =	sdelay $0x1  }
0x8a: {  	s1 =	srdreg.scid  }
0x8b: {  	s0 =	sand.u32 $0x1, s1  }
0x8c: {  	s17 =	sshll.u32 s0, $0xA;
	s2 =	sadd.s32 s3, s2  }
0x8d: {  	s2 =	sadd.s32 s2, s17  }
0x8e: {  	[smem:$0x3FC6] =	sst s2  }
0x8f: {  	_ = 	snop  }
0x90: {  	s2 =	sld [smem:$0x3FD0];
	(tm) =	ssettm $0x1  }
0x91: {  	s18 =	sld [smem:$0x3FFB];
	_ =	sdelay $0x3  }
0x92: {  	_ =	strace s18  }
0x93: {  	s3 =	sld [smem:$0x3FFC];
	_ =	sdelay $0x3  }
0x94: {  	_ =	strace s3  }
0x95: {  	s3 =	sld [smem:$0x3FFD];
	_ =	sdelay $0x3  }
0x96: {  	_ =	strace s3  }
0x97: {  	_ =	strace $0x8FFFFFFF  }
0x98: {  	s19 =	sld [smem:$0x3FDB];
	_ =	sdelay $0x1  }
0x99: {  	s4 =	simm.s32 $_scs_section_size  }
0x9a: {  	s5 =	simm.s32 $_size__tile_overlayer_lowered;
	s6 =	simm.s32 $_tile_overlayer_lowered  }
0x9b: {  	s22 =	simm.s32 $0x1BFF;
	s21 =	sshll.u32 s6, $0x1;
	s3 =	sadd.s32 s4, s19  }
0x9c: {  	s7 =	simm.s32 $0x0;
	s20 =	sshll.u32 s5, $0x1;
	s5 =	sadd.s32 s21, s3  }
0x9d: {  	[timem:s7], [sflag:s22] =	dma.local [hbm:s5], s20  }
0x9e: {  	_ =	swait.ge [sflag:s22], s20  }
0x9f: {  	s4 =	ssub.s32 $0x0, s20;
	[sflag:s22] =	ssyncset.done $0x0  }
0xa0: {  	[sflag:s22] =	ssyncadd.s32 s4;
	_ =	sdelay $0x1  }
0xa1: {  	s23 =	simm.s32 $0x1B8B  }
0xa2: {  	_ =	swait.ge [sflag:s23], $0x1  }
0xa3: {  	[sflag:s23] =	ssyncset.done $0x0  }
0xa4: {  	s25 =	simm.s32 $0x1B8E;
	s24 =	sld [smem:$0x3FFE];
	[sflag:s23] =	ssyncadd.s32 $0xFFFFFFFF  }
0xa5: {  	s26 =	simm.s32 $execute0_lowered;
	[smem:$0x3FD2] =	sst s25  }
0xa6: {  	s5 =	sshll.u32 s26, $0x1;
	_ =	strace $0x80000049;
	[dreg:$0x1] =	wrdreg $0xFFFFFFFF  }
0xa7: {  	s28 =	simm.s32 $_size_execute0_lowered;
	s3 =	sadd.s32 s3, s5;
	[dreg:$0x0] =	wrdreg $0x0  }
0xa8: {  	s5 =	sshll.u32 s28, $0x1;
	[dreg:$0x2] =	wrdreg s3  }
0xa9: {  	[dreg:$0x3] =	wrdreg s5  }
0xaa: {  	[dreg:$0x4] =	wrdreg $0xC0  }
0xab: {  	_ =	task [dreg:s7], $0x5FFFF  }
0xac: {  	[dreg:$0x1] =	wrdreg $0xFFFFFFFF  }
0xad: {  	[dreg:$0x0] =	wrdreg $0x60  }
0xae: {  	[dreg:$0x2] =	wrdreg s24  }
0xaf: {  	[dreg:$0x3] =	wrdreg s2  }
0xb0: {  	[dreg:$0x4] =	wrdreg $0x9  }
0xb1: {  	_ =	task.clear_ibuf [dreg:s7], $0x5FFFF;
	_ =	strace $0x90000049  }
0xb2: {  	s29 =	simm.s32 $0x9;
	_ =	strace $0x8000004B  }
0xb3: {  	_ =	swait.ge [sflag:s29], $0x1  }
0xb4: {  	[sflag:s29] =	ssyncadd.s32 $0xFFFFFFFF  }
0xb5: {  	_ =	strace $0x9000004B  }
0xb6: {  	_ =	sfence  }
0xb7: {  	s30 =	sld [smem:$0x0];
	_ =	sdelay $0x2  }
0xb8: {  	s31 =	sshll.u32 s1, $0xD;
	s1 =	sshrl.u32 s1, $0x2  }
0xb9: {  	s3 =	sand.u32 $0x4000, s31;
	s1 =	sadd.s32 s1, s30  }
0xba: {  	s0 =	sor.u32 s3, s0;
	s1 =	sshll.u32 s1, $0x11  }
0xbb: {  	s0 =	sor.u32 s1, s0  }
0xbc: {  	s0 =	sadd.s32 $0x8F2B, s0  }
0xbd: {  	[sflag:s0] =	ssyncadd.remote.s32 $0x1  }
0xbe: {  	_ =	sfence.sel $0xFFFF  }
0xbf: {  	[dreg:$0x0] =	wrdreg $0xFFFFFFFF;
	(pc) =	sbr.abs _section_cstart, $3  }
0xc0: {  	[dreg:$0x1] =	wrdreg $0xFFFFFFFF  }
0xc1: {  	_ =	task.clear_ibuf [dreg:s7], $0x2FFFF;
	_ =	strace $0x9FFFFFFF  }
0xc2: {  	(tm) =	ssettm $0x7FFFFFFF  }
0xc3: {  	_ =	shalt  }
tec
execute0_lowered:
.L_overlay_start_1:
0x0: {  	(tag) =	ssettag $0x1  }
0x1: {  	s5 =	rddreg [dreg:$0x0]  }
0x2: {  	s1 =	rddreg [dreg:$0x1];
	s3 =	simm.s32 $0x0;
	s4 =	srdreg.scid  }
0x3: {  	s0 =	stileid.u32;
	s10 =	simm.s32 $0x280;
	s12 =	simm.s32 $0x1400  }
0x4: {  	s13 =	simm.s32 $0x6400;
	s14 =	simm.s32 $0x1;
	s15 =	simm.s32 $0xB400  }
0x5: {  	s16 =	simm.s32 $0x400;
	s17 =	simm.s32 $0x20000;
	s18 =	simm.s32 $0x10400  }
0x6: {  	s19 =	simm.s32 $0x3;
	s20 =	simm.s32 $0x4;
	s6 =	sand.u32 $0x1, s4  }
0x7: {  	v1 =	vlaneseq.u32;
	s2 =	simm.s32 $0x0;
	[smem:$0x7FF] =	sst s3;
	s7 =	ssub.s32 $0x2, s6  }
0x8: {  	s8 =	sshll.u32 s0, $0x1;
	s4 =	sadd.s32 $0x3D1400, s5;
	v0 =	vshrl.u32 v1, $0x3;
	s9 =	sshrl.u32 s7, $0x1  }
0x9: {  	s5 =	sadd.s32 $0xA00, s5;
	s8 =	sor.u32 s6, s8;
	v0 =	vmul.u32 $0x400, v0;
	s9 =	ssub.s32 s7, s9  }
0xa: {  	v2 =	vand.u32 $0x7, v1;
	v1 =	vmul.u32 $0x14, v1;
	_ =	strace $0x8000004A;
	s6 =	sshll.u32 s8, $0x9;
	s31 =	smax.u32 s9, $0x1  }
0xb: {  	v2 =	vmul.u32 $0x80, v2;
	s7 =	sshll.u32 s8, $0xC;
	v3 =	vor.u32 $0x800, v0;
	s9 =	simm.s32 $0x5;
	[dreg:$0x3] =	wrdreg s31  }
.LBB2_1:
0xc: {  	[dreg:$0x4] =	wrdreg s2;
	s22 =	simm.s32 $0x0  }
.LBB2_2:
0xd: {  	s23 =	sshll.u32 s22, $0x7  }
0xe: {  	s23 =	sadd.s32 s6, s23  }
0xf: {  	s23 =	smul.u32 $0x14, s23;
	_ =	sdelay $0x1  }
0x10: {  	s24 =	simm.s32 $0x0;
	s31 =	simm.s32 $0x8C0;
	s23 =	sshrl.u32 s23, $0x3  }
0x11: {  	s0 =	simm.s32 $0x140;
	s2 =	simm.s32 $0x280;
	v5 =	vadd.s32 s31, v1;
	s23 =	sadd.s32 s4, s23  }
0x12: {  	v6 =	vadd.s32 s0, v1;
	[tilespmem:s24], [sflag:$0x5] =	stream.linear.gather [hbm4b:s23+s24], $0xA00, $0x38;
	[tilespmem:$0x15400] =	vst v63  }
0x13: {  	s8 =	simm.s32 $0x3C0;
	v7 =	vadd.s32 s2, v1;
	_ =	swait.ge [sflag:s9], $0xA00  }
0x14: {  	s11 =	simm.s32 $0x500;
	v8 =	vadd.s32 s8, v1;
	[sflag:s9] =	ssyncset.done $0x0  }
0x15: {  	s21 =	simm.s32 $0x640;
	v9 =	vadd.s32 s11, v1;
	[sflag:s9] =	ssyncadd.s32 $0xFFFFF600  }
0x16: {  	v4 =	vadd.s32 s24, v1;
	v10 =	vadd.s32 s21, v1;
	s24 =	simm.s32 $0x780;
	v5 =	vld.idx.msk [tilespmem:v5+s3+$0x0], $0xffff  }
0x17: {  	s25 =	simm.s32 $0x1;
	v11 =	vadd.s32 s24, v1;
	v6 =	vld.idx.msk [tilespmem:v6+s3+$0x0], $0xffff  }
0x18: {  	v12 =	vadd.s32 s25, v1;
	v7 =	vld.idx.msk [tilespmem:v7+s3+$0x0], $0xffff  }
0x19: {  	s29 =	simm.s32 $0x281;
	v8 =	vld.idx.msk [tilespmem:v8+s3+$0x0], $0xffff  }
0x1a: {  	s26 =	simm.s32 $0x8C1;
	v16 =	vadd.s32 s29, v1;
	v9 =	vld.idx.msk [tilespmem:v9+s3+$0x0], $0xffff  }
0x1b: {  	s28 =	simm.s32 $0x141;
	v14 =	vadd.s32 s26, v1;
	s23 =	simm.s32 $0xA40;
	v17 =	vld.idx.msk [tilespmem:v10+s3+$0x0], $0xffff  }
0x1c: {  	s30 =	simm.s32 $0x3C1;
	v15 =	vadd.s32 s28, v1;
	v13 =	vld.idx.msk [tilespmem:v11+s3+$0x0], $0xffff;
	[tilespmem:s23+$0x30] =	vst v5  }
0x1d: {  	s25 =	simm.s32 $0x501;
	[tilespmem:s23+$0xFFFFFFD0] =	vst v6;
	v5 =	vld.idx.msk [tilespmem:v12+s3+$0x0], $0xffff;
	v12 =	vadd.s32 s30, v1  }
0x1e: {  	s26 =	simm.s32 $0x641;
	v4 =	vld.idx.msk [tilespmem:v4+s3+$0x0], $0xffff;
	v11 =	vadd.s32 s25, v1;
	[tilespmem:s23+$0xFFFFFFE0] =	vst v7  }
0x1f: {  	s31 =	simm.s32 $0x781;
	v10 =	vld.idx.msk [tilespmem:v16+s3+$0x0], $0xffff;
	[tilespmem:s23+$0x0] =	vst v9;
	v9 =	vadd.s32 s26, v1  }
0x20: {  	v6 =	vld.idx.msk [tilespmem:v14+s3+$0x0], $0xffff;
	[tilespmem:s23+$0xFFFFFFF0] =	vst v8;
	v7 =	vadd.s32 s31, v1  }
0x21: {  	s24 =	simm.s32 $0x8;
	s25 =	simm.s32 $0x2;
	v8 =	vld.idx.msk [tilespmem:v15+s3+$0x0], $0xffff;
	[tilespmem:s23+$0x10] =	vst v17  }
.LBB2_3:
0x22: {  	v14 =	vadd.s32 s25, v1;
	s26 =	sadd.s32 $0x140, s25;
	s28 =	sadd.s32 $0x8C0, s25;
	s24 =	sadd.s32 $0x8, s24;
	v15 =	vld.idx.msk [tilespmem:v12+s3+$0x0], $0xffff;
	[tilespmem:s23+$0x20] =	vst v13  }
0x23: {  	s29 =	sadd.s32 $0x3C0, s25;
	v16 =	vadd.s32 s26, v1;
	s26 =	sadd.s32 $0x280, s25;
	v17 =	vadd.s32 s28, v1;
	p0 =	slt.u32 s24, $0x98;
	v18 =	vld.idx.msk [tilespmem:v11+s3+$0x0], $0xffff;
	[tilespmem:s23+$0xFFFFFFC0] =	vst v4  }
0x24: {  	v12 =	vadd.s32 s29, v1;
	s28 =	sadd.s32 $0x640, s25;
	s23 =	sadd.s32 $0x80, s23;
	v4 =	vmov v5;
	v19 =	vadd.s32 s26, v1;
	s26 =	sadd.s32 $0x500, s25;
	v20 =	vld.idx.msk [tilespmem:v9+s3+$0x0], $0xffff  }
0x25: {  	v9 =	vadd.s32 s28, v1;
	v11 =	vadd.s32 s26, v1;
	s26 =	sadd.s32 $0x780, s25;
	v13 =	vld.idx.msk [tilespmem:v7+s3+$0x0], $0xffff;
	[tilespmem:s23+$0x30] =	vst v6  }
.Ltmp0:
0x26: {  	v7 =	vadd.s32 s26, v1;
	[tilespmem:s23+$0xFFFFFFD0] =	vst v8;
	(pc) =	sbr.rel @p0 .LBB2_3-.Ltmp0, $4  }
0x27: {  	v5 =	vld.idx.msk [tilespmem:v14+s3+$0x0], $0xffff;
	[tilespmem:s23+$0xFFFFFFE0] =	vst v10  }
0x28: {  	v6 =	vld.idx.msk [tilespmem:v17+s3+$0x0], $0xffff;
	[tilespmem:s23+$0xFFFFFFF0] =	vst v15  }
0x29: {  	v8 =	vld.idx.msk [tilespmem:v16+s3+$0x0], $0xffff;
	[tilespmem:s23+$0x0] =	vst v18  }
0x2a: {  	s25 =	sadd.s32 $0x1, s25;
	v10 =	vld.idx.msk [tilespmem:v19+s3+$0x0], $0xffff;
	[tilespmem:s23+$0x10] =	vst v20  }
0x2b: {  	_ =	sdelay $0x2  }
0x2c: {  	[tilespmem:s23+$0x20] =	vst v13  }
0x2d: {  	v12 =	vld.idx.msk [tilespmem:v12+s3+$0x0], $0xffff;
	[tilespmem:s23+$0xFFFFFFC0] =	vst v4;
	s30 =	sadd.s32 $0x80, s23  }
0x2e: {  	v11 =	vld.idx.msk [tilespmem:v11+s3+$0x0], $0xffff;
	[tilespmem:s30+$0xFFFFFFC0] =	vst v5  }
0x2f: {  	v4 =	vld.idx.msk [tilespmem:v9+s3+$0x0], $0xffff;
	[tilespmem:s30+$0x30] =	vst v6  }
0x30: {  	v63 =	vld.idx.msk [tilespmem:v7+s3+$0x0], $0xffff;
	[tilespmem:s30+$0xFFFFFFD0] =	vst v8  }
0x31: {  	[tilespmem:s30+$0xFFFFFFE0] =	vst v10  }
0x32: {  	[tilespmem:s30+$0xFFFFFFF0] =	vst v12  }
0x33: {  	s31 =	sshll.u32 s22, $0xA;
	[tilespmem:s30+$0x0] =	vst v11  }
0x34: {  	s0 =	simm.s32 $0xA00;
	s23 =	sadd.s32 s7, s31;
	[tilespmem:s30+$0x10] =	vst v4  }
0x35: {  	s26 =	simm.s32 $0x0;
	p1 =	por $0x1, $0x1;
	s24 =	sadd.s32 $0x280000, s23;
	[tilespmem:s30+$0x20] =	vst v63  }
0x36: {  	[tilespmem:s12], [sflag:$0x1] =	stream.indirect.gather [hbm4b:s5+s10], $0x20, s0, s10, $0xb8;
	[tilespmem:$0x15400] =	vst v63  }
.LBB2_5:
0x37: {  	s25 =	smul.u32 $0x1400, s26;
	_ =	sdelay $0x1  }
0x38: {  	s25 =	sshra.s32 s25, $0x2  }
0x39: {  	s28 =	sadd.s32 $0xC80, s25  }
0x3a: {  	[tilespmem:s13], [sflag:$0x2] =	stream.indirect.gather [hbm4b:s5+s10], $0x20, s28, s10, $0xb8;
	[tilespmem:$0x15400] =	vst v63  }
0x3b: {  	_ =	swait.ge [sflag:s14], $0x5000  }
0x3c: {  	[sflag:s14] =	ssyncset.done $0x0  }
0x3d: {  	s28 =	simm.s32 @!p1 $0x3;
	[sflag:s14] =	ssyncadd.s32 $0xFFFFB000  }
0x3e: {  	_ =	swait.ge @!p1 [sflag:s28], $0x5000  }
0x3f: {  	[sflag:s28] =	ssyncset.done @!p1 $0x0  }
0x40: {  	s29 =	simm.s32 $0x1480;
	[sflag:s28] =	ssyncadd.s32 @!p1 $0xFFFFB000;
	s28 =	simm.s32 $0x0  }
0x41: {  	s28 =	sand.u32 $0x1C, s28;
	v4 =	vld [tilespmem:s29+$0xFFFFFFB0]  }
0x42: {  	s30 =	simm.s32 $0x6;
	v5 =	vld [tilespmem:s29+$0x60];
	v6 =	vmov s28  }
0x43: {  	s2 =	simm.s32 $0x5;
	s30 =	sand.u32 $0x7E, s30;
	v9 =	vld [tilespmem:s29+$0x40];
	s28 =	simm.s32 $0x0;
	v6 =	vshll.u32 v6, $0xA  }
0x44: {  	s0 =	simm.s32 $0x1;
	s2 =	sand.u32 $0x7D, s2;
	v11 =	vor.u32 s30, v2;
	v12 =	vld [tilespmem:s29+$0xFFFFFF80];
	s31 =	sand.u32 $0x78, s28;
	v10 =	vor.u32 v0, v6  }
0x45: {  	s21 =	simm.s32 $0x3;
	s0 =	sand.u32 $0x79, s0;
	s30 =	simm.s32 $0x4;
	v27 =	vor.u32 s2, v2;
	v15 =	vld [tilespmem:s29+$0x0];
	v7 =	vor.u32 s31, v2;
	v13 =	vor.u32 v11, v10  }
0x46: {  	s2 =	sand.u32 $0x7B, s21;
	s30 =	sand.u32 $0x7C, s30;
	v25 =	vld [tilespmem:s29+$0xFFFFFFA0];
	v14 =	vor.u32 v3, v6;
	v6 =	vor.u32 s0, v2;
	v24 =	vor.u32 v7, v10  }
0x47: {  	s11 =	simm.s32 $0x7;
	v30 =	vor.u32 s2, v2;
	v16 =	vor.u32 s30, v2;
	v28 =	vld [tilespmem:s29+$0xFFFFFF90];
	v26 =	vor.u32 v6, v10  }
0x48: {  	v17 =	vld [tilespmem:s29+$0x50];
	s0 =	sand.u32 $0x7F, s11;
	v29 =	vor.u32 v7, v14;
	v8 =	vor.u32 v6, v14;
	v7 =	vor.u32 v27, v10  }
0x49: {  	s30 =	simm.s32 $0x2;
	v23 =	vld [tilespmem:s29+$0x70];
	v19 =	vor.u32 s0, v2;
	v22 =	vor.u32 v16, v10;
	v18 =	vor.u32 v16, v14  }
0x4a: {  	s31 =	sand.u32 $0x7A, s30;
	v6 =	vld [tilespmem:s29+$0xFFFFFFC0];
	v16 =	vor.u32 v30, v10;
	v21 =	vor.u32 v19, v10;
	[tilespmem:v13+s15+$0x0] =	vst.idx.msk $0xffff, v9  }
0x4b: {  	v20 =	vor.u32 v19, v14;
	v19 =	vor.u32 v11, v14;
	v9 =	vor.u32 s31, v2;
	[tilespmem:v24+s15+$0x0] =	vst.idx.msk $0xffff, v12;
	v24 =	vld [tilespmem:s29+$0x10]  }
0x4c: {  	v11 =	vor.u32 v27, v14;
	[tilespmem:v26+s15+$0x0] =	vst.idx.msk $0xffff, v25;
	v12 =	vor.u32 v9, v10;
	v10 =	vld [tilespmem:s29+$0x30]  }
0x4d: {  	p0 =	por p1, p1;
	s30 =	simm.s32 $0x1480;
	v13 =	vor.u32 v30, v14;
	v9 =	vor.u32 v9, v14;
	[tilespmem:v29+s15+$0x0] =	vst.idx.msk $0xffff, v28;
	v14 =	vld [tilespmem:s29+$0xFFFFFFD0]  }
.LBB2_6:
0x4e: {  	v25 =	vld [tilespmem:s29+$0xFFFFFFF0];
	[tilespmem:v22+s15+$0x0] =	vst.idx.msk $0xffff, v15;
	s30 =	sadd.s32 $0x100, s30;
	s0 =	smov.u32 s28;
	s28 =	sadd.s32 $0x8, s28  }
0x4f: {  	s2 =	sshrl.u32 s28, $0x5;
	s31 =	sand.u32 $0x78, s28;
	p1 =	slt.u32 s28, $0x278;
	v15 =	vld [tilespmem:s29+$0xFFFFFFE0];
	[tilespmem:v21+s15+$0x0] =	vst.idx.msk $0xffff, v5  }
0x50: {  	s8 =	sadd.s32 $0x9, s0;
	s21 =	sadd.s32 $0xB, s0;
	s2 =	sand.u32 $0x1C, s2;
	v21 =	vld [tilespmem:s29+$0x20];
	[tilespmem:v20+s15+$0x0] =	vst.idx.msk $0xffff, v23  }
0x51: {  	s11 =	sadd.s32 $0xE, s0;
	s29 =	sadd.s32 $0xD, s0;
	v5 =	vmov s2;
	v20 =	vld [tilespmem:s30+$0xFFFFFFB0];
	s2 =	sadd.s32 $0xC, s0;
	[tilespmem:v18+s15+$0x0] =	vst.idx.msk $0xffff, v24  }
0x52: {  	s11 =	sand.u32 $0x7E, s11;
	v18 =	vor.u32 s31, v2;
	s31 =	sand.u32 $0x7D, s29;
	v22 =	vshll.u32 v5, $0xA;
	s2 =	sand.u32 $0x7C, s2;
	v5 =	vld [tilespmem:s30+$0x60];
	[tilespmem:v19+s15+$0x0] =	vst.idx.msk $0xffff, v17  }
0x53: {  	s8 =	sand.u32 $0x79, s8;
	s21 =	sand.u32 $0x7B, s21;
	s29 =	sadd.s32 $0xA, s0;
	v23 =	vor.u32 s11, v2;
	v24 =	vor.u32 v0, v22;
	v26 =	vor.u32 v3, v22;
	v19 =	vld [tilespmem:s30+$0x40];
	[tilespmem:v8+s15+$0x0] =	vst.idx.msk $0xffff, v4  }
0x54: {  	v29 =	vor.u32 s21, v2;
	s0 =	sadd.s32 $0xF, s0;
	s11 =	sand.u32 $0x7A, s29;
	s29 =	smov.u32 s30;
	v17 =	vor.u32 s2, v2;
	v27 =	vld [tilespmem:s30+$0xFFFFFF80];
	v28 =	vor.u32 v18, v24;
	[tilespmem:v16+s15+$0x0] =	vst.idx.msk $0xffff, v15  }
0x55: {  	s0 =	sand.u32 $0x7F, s0;
	v8 =	vor.u32 s8, v2;
	v30 =	vor.u32 v18, v26;
	v31 =	vor.u32 v23, v24;
	v15 =	vld [tilespmem:s30+$0x0];
	[tilespmem:v7+s15+$0x0] =	vst.idx.msk $0xffff, v21  }
0x56: {  	v35 =	vor.u32 s31, v2;
	v34 =	vor.u32 s11, v2;
	v33 =	vor.u32 v8, v24;
	v32 =	vld [tilespmem:s30+$0xFFFFFFA0];
	[tilespmem:v12+s15+$0x0] =	vst.idx.msk $0xffff, v6;
	v4 =	vmovc v20  }
0x57: {  	v8 =	vor.u32 v8, v26;
	v7 =	vor.u32 v35, v24;
	v12 =	vor.u32 s0, v2;
	v36 =	vld [tilespmem:s30+$0xFFFFFF90];
	[tilespmem:v13+s15+$0x0] =	vst.idx.msk $0xffff, v25  }
0x58: {  	v22 =	vor.u32 v17, v24;
	v18 =	vor.u32 v17, v26;
	v6 =	vld [tilespmem:s30+$0xFFFFFFC0];
	[tilespmem:v9+s15+$0x0] =	vst.idx.msk $0xffff, v14  }
.Ltmp1:
0x59: {  	v21 =	vor.u32 v12, v24;
	v20 =	vor.u32 v12, v26;
	v17 =	vld [tilespmem:s30+$0x50];
	[tilespmem:v11+s15+$0x0] =	vst.idx.msk $0xffff, v10;
	(pc) =	sbr.rel @p1 .LBB2_6-.Ltmp1, $4  }
0x5a: {  	v16 =	vor.u32 v29, v24;
	[tilespmem:v31+s15+$0x0] =	vst.idx.msk $0xffff, v19;
	v19 =	vor.u32 v23, v26;
	v23 =	vld [tilespmem:s30+$0x70]  }
0x5b: {  	v12 =	vor.u32 v34, v24;
	v9 =	vor.u32 v34, v26;
	[tilespmem:v28+s15+$0x0] =	vst.idx.msk $0xffff, v27;
	v24 =	vld [tilespmem:s30+$0x10]  }
0x5c: {  	v13 =	vor.u32 v29, v26;
	v11 =	vor.u32 v35, v26;
	[tilespmem:v33+s15+$0x0] =	vst.idx.msk $0xffff, v32;
	v10 =	vld [tilespmem:s30+$0x30]  }
0x5d: {  	[tilespmem:v30+s15+$0x0] =	vst.idx.msk $0xffff, v36;
	v14 =	vld [tilespmem:s30+$0xFFFFFFD0]  }
0x5e: {  	_ =	sdelay $0x3  }
0x5f: {  	[tilespmem:v22+s15+$0x0] =	vst.idx.msk $0xffff, v15  }
0x60: {  	[tilespmem:v21+s15+$0x0] =	vst.idx.msk $0xffff, v5  }
0x61: {  	[tilespmem:v19+s15+$0x0] =	vst.idx.msk $0xffff, v17  }
0x62: {  	v15 =	vld [tilespmem:s29+$0xFFFFFFE0];
	[tilespmem:v8+s15+$0x0] =	vst.idx.msk $0xffff, v4  }
0x63: {  	v5 =	vld [tilespmem:s29+$0x20];
	[tilespmem:v12+s15+$0x0] =	vst.idx.msk $0xffff, v6  }
0x64: {  	[tilespmem:v20+s15+$0x0] =	vst.idx.msk $0xffff, v23  }
0x65: {  	[tilespmem:v18+s15+$0x0] =	vst.idx.msk $0xffff, v24;
	v18 =	vld [tilespmem:s29+$0xFFFFFFF0]  }
0x66: {  	s26 =	smul.u32 $0x500000, s26;
	[tilespmem:v9+s15+$0x0] =	vst.idx.msk $0xffff, v14  }
0x67: {  	[tilespmem:v16+s15+$0x0] =	vst.idx.msk $0xffff, v15  }
0x68: {  	s0 =	sadd.s32 s23, s26;
	[tilespmem:v7+s15+$0x0] =	vst.idx.msk $0xffff, v5  }
0x69: {  	s0 =	sshrl.u32 s0, $0x3;
	[tilespmem:v11+s15+$0x0] =	vst.idx.msk $0xffff, v10  }
0x6a: {  	s0 =	sadd.s32 s1, s0;
	[tilespmem:v13+s15+$0x0] =	vst.idx.msk $0xffff, v18  }
0x6b: {  	[hbm4b:s0+s16] =	stream.strided.scatter [tilespmem:s15], [sflag:$0x3], $0x5000, s17, s16, $0x38;
	[tilespmem:$0x15400] =	vst v63  }
0x6c: {  	s0 =	simm.s32 @!p0 $0x2  }
0x6d: {  	_ =	swait.ge @!p0 [sflag:s0], $0x5000  }
0x6e: {  	s2 =	sadd.s32 @p0 $0xF00, s25;
	s8 =	simm.s32 @p0 $0x280;
	[sflag:s0] =	ssyncset.done @!p0 $0x0  }
0x6f: {  	s11 =	simm.s32 @p0 $0x1400;
	[sflag:s0] =	ssyncadd.s32 @!p0 $0xFFFFB000;
	s0 =	simm.s32 @!p0 $0x4  }
0x70: {  	[tilespmem:s11], [sflag:$0x1] =	stream.indirect.gather @p0 [hbm4b:s5+s8], $0x20, s2, s8, $0xb8;
	[tilespmem:$0x15400] =	vst v63  }
0x71: {  	s0 =	simm.s32 @p0 $0x2  }
0x72: {  	_ =	swait.ge [sflag:s0], $0x5000  }
0x73: {  	[sflag:s0] =	ssyncset.done $0x0  }
0x74: {  	s28 =	simm.s32 $0x64F0;
	s11 =	simm.s32 $0x0;
	[sflag:s0] =	ssyncadd.s32 $0xFFFFB000  }
0x75: {  	s0 =	sand.u32 $0x1C, s11;
	v4 =	vld [tilespmem:s28+$0xFFFFFF40]  }
0x76: {  	s21 =	simm.s32 $0x6;
	v6 =	vmov s0;
	v5 =	vld [tilespmem:s28+$0xFFFFFFF0]  }
0x77: {  	s25 =	simm.s32 $0x0;
	s0 =	sand.u32 $0x7E, s21;
	v9 =	vld [tilespmem:s28+$0xFFFFFFD0];
	v6 =	vshll.u32 v6, $0xA  }
0x78: {  	s31 =	simm.s32 $0x1;
	s30 =	sand.u32 $0x78, s25;
	v12 =	vld [tilespmem:s28+$0xFFFFFF10];
	v11 =	vor.u32 s0, v2;
	v10 =	vor.u32 v0, v6  }
0x79: {  	v7 =	vor.u32 s30, v2;
	s30 =	sand.u32 $0x79, s31;
	s11 =	simm.s32 $0x4;
	s21 =	simm.s32 $0x5;
	v14 =	vld [tilespmem:s28+$0xFFFFFF90];
	v13 =	vor.u32 v11, v10  }
0x7a: {  	v25 =	vld [tilespmem:s28+$0xFFFFFF30];
	s0 =	sand.u32 $0x7C, s11;
	s31 =	sand.u32 $0x7D, s21;
	v15 =	vor.u32 v3, v6;
	v6 =	vor.u32 s30, v2;
	v24 =	vor.u32 v7, v10  }
0x7b: {  	v28 =	vld [tilespmem:s28+$0xFFFFFF20];
	s11 =	simm.s32 $0x7;
	v16 =	vor.u32 s0, v2;
	v27 =	vor.u32 s31, v2;
	v26 =	vor.u32 v6, v10  }
0x7c: {  	v17 =	vld [tilespmem:s28+$0xFFFFFFE0];
	s21 =	simm.s32 $0x3;
	s0 =	sand.u32 $0x7F, s11;
	v29 =	vor.u32 v7, v15;
	v8 =	vor.u32 v6, v15;
	v7 =	vor.u32 v27, v10  }
0x7d: {  	v23 =	vld [tilespmem:s28+$0x0];
	s30 =	simm.s32 $0x2;
	s2 =	sand.u32 $0x7B, s21;
	v19 =	vor.u32 s0, v2;
	v22 =	vor.u32 v16, v10;
	v18 =	vor.u32 v16, v15  }
0x7e: {  	v6 =	vld [tilespmem:s28+$0xFFFFFF50];
	s31 =	sand.u32 $0x7A, s30;
	v30 =	vor.u32 s2, v2;
	v21 =	vor.u32 v19, v10;
	v20 =	vor.u32 v19, v15;
	[tilespmem:v13+s18+$0x0] =	vst.idx.msk $0xffff, v9  }
0x7f: {  	v16 =	vor.u32 v30, v10;
	v19 =	vor.u32 v11, v15;
	v9 =	vor.u32 s31, v2;
	[tilespmem:v24+s18+$0x0] =	vst.idx.msk $0xffff, v12;
	v24 =	vld [tilespmem:s28+$0xFFFFFFA0]  }
0x80: {  	v11 =	vor.u32 v27, v15;
	[tilespmem:v26+s18+$0x0] =	vst.idx.msk $0xffff, v25;
	v12 =	vor.u32 v9, v10;
	v10 =	vld [tilespmem:s28+$0xFFFFFFC0]  }
0x81: {  	s29 =	simm.s32 $0x64F0;
	v13 =	vor.u32 v30, v15;
	v9 =	vor.u32 v9, v15;
	[tilespmem:v29+s18+$0x0] =	vst.idx.msk $0xffff, v28;
	v15 =	vld [tilespmem:s28+$0xFFFFFF60]  }
.LBB2_8:
0x82: {  	v25 =	vld [tilespmem:s28+$0xFFFFFF80];
	[tilespmem:v22+s18+$0x0] =	vst.idx.msk $0xffff, v14;
	s29 =	sadd.s32 $0x100, s29;
	s0 =	smov.u32 s25;
	s25 =	sadd.s32 $0x8, s25  }
0x83: {  	s2 =	sshrl.u32 s25, $0x5;
	s8 =	sand.u32 $0x78, s25;
	p1 =	slt.u32 s25, $0x278;
	v14 =	vld [tilespmem:s28+$0xFFFFFF70];
	[tilespmem:v21+s18+$0x0] =	vst.idx.msk $0xffff, v5  }
0x84: {  	s11 =	sadd.s32 $0x9, s0;
	s21 =	sadd.s32 $0xB, s0;
	s2 =	sand.u32 $0x1C, s2;
	v21 =	vld [tilespmem:s28+$0xFFFFFFB0];
	[tilespmem:v20+s18+$0x0] =	vst.idx.msk $0xffff, v23  }
0x85: {  	s30 =	sadd.s32 $0xE, s0;
	s28 =	sadd.s32 $0xD, s0;
	v5 =	vmov s2;
	v20 =	vld [tilespmem:s29+$0xFFFFFF40];
	s2 =	sadd.s32 $0xC, s0;
	[tilespmem:v18+s18+$0x0] =	vst.idx.msk $0xffff, v24  }
0x86: {  	v18 =	vor.u32 s8, v2;
	s8 =	sand.u32 $0x7D, s28;
	s28 =	sand.u32 $0x7E, s30;
	v22 =	vshll.u32 v5, $0xA;
	s2 =	sand.u32 $0x7C, s2;
	v5 =	vld [tilespmem:s29+$0xFFFFFFF0];
	[tilespmem:v19+s18+$0x0] =	vst.idx.msk $0xffff, v17  }
0x87: {  	s11 =	sand.u32 $0x79, s11;
	s21 =	sand.u32 $0x7B, s21;
	s30 =	sadd.s32 $0xA, s0;
	v23 =	vor.u32 s28, v2;
	v24 =	vor.u32 v0, v22;
	v26 =	vor.u32 v3, v22;
	v19 =	vld [tilespmem:s29+$0xFFFFFFD0];
	[tilespmem:v8+s18+$0x0] =	vst.idx.msk $0xffff, v4  }
0x88: {  	v29 =	vor.u32 s21, v2;
	s0 =	sadd.s32 $0xF, s0;
	s30 =	sand.u32 $0x7A, s30;
	s28 =	smov.u32 s29;
	v17 =	vor.u32 s2, v2;
	v27 =	vld [tilespmem:s29+$0xFFFFFF10];
	v28 =	vor.u32 v18, v24;
	[tilespmem:v16+s18+$0x0] =	vst.idx.msk $0xffff, v14  }
0x89: {  	s0 =	sand.u32 $0x7F, s0;
	v8 =	vor.u32 s11, v2;
	v30 =	vor.u32 v18, v26;
	v31 =	vor.u32 v23, v24;
	v14 =	vld [tilespmem:s29+$0xFFFFFF90];
	[tilespmem:v7+s18+$0x0] =	vst.idx.msk $0xffff, v21  }
0x8a: {  	v35 =	vor.u32 s8, v2;
	v34 =	vor.u32 s30, v2;
	v33 =	vor.u32 v8, v24;
	v32 =	vld [tilespmem:s29+$0xFFFFFF30];
	[tilespmem:v12+s18+$0x0] =	vst.idx.msk $0xffff, v6;
	v4 =	vmovc v20  }
0x8b: {  	v8 =	vor.u32 v8, v26;
	v7 =	vor.u32 v35, v24;
	v12 =	vor.u32 s0, v2;
	v36 =	vld [tilespmem:s29+$0xFFFFFF20];
	[tilespmem:v13+s18+$0x0] =	vst.idx.msk $0xffff, v25  }
0x8c: {  	v22 =	vor.u32 v17, v24;
	v18 =	vor.u32 v17, v26;
	v6 =	vld [tilespmem:s29+$0xFFFFFF50];
	[tilespmem:v9+s18+$0x0] =	vst.idx.msk $0xffff, v15  }
.Ltmp2:
0x8d: {  	v21 =	vor.u32 v12, v24;
	v20 =	vor.u32 v12, v26;
	v17 =	vld [tilespmem:s29+$0xFFFFFFE0];
	[tilespmem:v11+s18+$0x0] =	vst.idx.msk $0xffff, v10;
	(pc) =	sbr.rel @p1 .LBB2_8-.Ltmp2, $4  }
0x8e: {  	v16 =	vor.u32 v29, v24;
	[tilespmem:v31+s18+$0x0] =	vst.idx.msk $0xffff, v19;
	v19 =	vor.u32 v23, v26;
	v23 =	vld [tilespmem:s29+$0x0]  }
0x8f: {  	v12 =	vor.u32 v34, v24;
	v9 =	vor.u32 v34, v26;
	[tilespmem:v28+s18+$0x0] =	vst.idx.msk $0xffff, v27;
	v24 =	vld [tilespmem:s29+$0xFFFFFFA0]  }
0x90: {  	v13 =	vor.u32 v29, v26;
	v11 =	vor.u32 v35, v26;
	[tilespmem:v33+s18+$0x0] =	vst.idx.msk $0xffff, v32;
	v10 =	vld [tilespmem:s29+$0xFFFFFFC0]  }
0x91: {  	[tilespmem:v30+s18+$0x0] =	vst.idx.msk $0xffff, v36;
	v15 =	vld [tilespmem:s29+$0xFFFFFF60]  }
0x92: {  	_ =	sdelay $0x3  }
0x93: {  	[tilespmem:v22+s18+$0x0] =	vst.idx.msk $0xffff, v14  }
0x94: {  	[tilespmem:v21+s18+$0x0] =	vst.idx.msk $0xffff, v5  }
0x95: {  	[tilespmem:v19+s18+$0x0] =	vst.idx.msk $0xffff, v17  }
0x96: {  	v62 =	vld [tilespmem:s28+$0xFFFFFF70];
	[tilespmem:v8+s18+$0x0] =	vst.idx.msk $0xffff, v4  }
0x97: {  	v5 =	vld [tilespmem:s28+$0xFFFFFFB0];
	[tilespmem:v12+s18+$0x0] =	vst.idx.msk $0xffff, v6  }
0x98: {  	v63 =	vld [tilespmem:s28+$0xFFFFFF80];
	[tilespmem:v20+s18+$0x0] =	vst.idx.msk $0xffff, v23  }
0x99: {  	[tilespmem:v18+s18+$0x0] =	vst.idx.msk $0xffff, v24  }
0x9a: {  	[tilespmem:v9+s18+$0x0] =	vst.idx.msk $0xffff, v15  }
.Ltmp3:
0x9b: {  	[tilespmem:v16+s18+$0x0] =	vst.idx.msk $0xffff, v62;
	(pc) =	sbr.rel @p0 .LBB2_5-.Ltmp3, $4  }
0x9c: {  	s0 =	sadd.s32 s24, s26;
	[tilespmem:v7+s18+$0x0] =	vst.idx.msk $0xffff, v5  }
0x9d: {  	s0 =	sshrl.u32 s0, $0x3;
	[tilespmem:v13+s18+$0x0] =	vst.idx.msk $0xffff, v63  }
0x9e: {  	s26 =	simm.s32 $0x1;
	p1 =	por $0x0, $0x0;
	s0 =	sadd.s32 s1, s0;
	[tilespmem:v11+s18+$0x0] =	vst.idx.msk $0xffff, v10  }
0x9f: {  	[hbm4b:s0+s16] =	stream.strided.scatter [tilespmem:s18], [sflag:$0x4], $0x5000, s17, s16, $0x38;
	[tilespmem:$0x15400] =	vst v63  }
0xa0: {  	s22 =	sadd.s32 $0x1, s22  }
0xa1: {  	_ =	swait.ge [sflag:s19], $0x5000;
	p0 =	sne.s32 s22, $0x4  }
.Ltmp4:
0xa2: {  	[sflag:s19] =	ssyncset.done $0x0;
	(pc) =	sbr.rel @p0 .LBB2_2-.Ltmp4, $4  }
0xa3: {  	[sflag:s19] =	ssyncadd.s32 $0xFFFFB000  }
0xa4: {  	_ =	swait.ge [sflag:s20], $0x5000  }
0xa5: {  	[sflag:s20] =	ssyncset.done $0x0  }
0xa6: {  	[sflag:s20] =	ssyncadd.s32 $0xFFFFB000  }
0xa7: {  	s2 =	rddreg [dreg:$0x4]  }
0xa8: {  	s0 =	rddreg [dreg:$0x3];
	s2 =	sadd.s32 $0x1, s2  }
0xa9: {  	p0 =	sne.s32 s2, s0  }
.Ltmp5:
0xaa: {  	_ = 	snop;
	(pc) =	sbr.rel @p0 .LBB2_1-.Ltmp5, $1  }
0xab: {  	_ =	sdelay $0x3  }
0xac: {  	_ =	sfence.sel $0x180000  }
0xad: {  	[bflag:$0x0] =	sbarrier.arrive $0xFFFF  }
0xae: {  	_ =	strace $0x9000004A  }
0xaf: {  	s0 =	stileid.u32;
	[bflag:$0x2] =	sbarrier.arrive $0xFFFF  }
0xb0: {  	p0 =	sne.s32 s0, $0x0;
	s0 =	rddreg [dreg:$0x2]  }
0xb1: {  	s0 =	sadd.s32 @!p0 $0x100000, s0  }
0xb2: {  	[sflag:s0] =	ssyncadd.tile.s32 @!p0 $0x1;
	_ =	shalt  }
.Lfunc_end2:
_tile_overlayer_lowered:
.L_overlay_start_2:
0xb3: {  	(tag) =	ssettag $0x2  }
0xb4: {  	s0 =	rddreg [dreg:$0x0];
	s2 =	stileid.u32  }
0xb5: {  	s1 =	rddreg [dreg:$0x1];
	p0 =	sne.s32 s2, $0x0  }
0xb6: {  	s3 =	rddreg [dreg:$0x2];
	[bflag:$0x3] =	sbarrier.arrive $0xFFFF;
	s2 =	simm.s32 @!p0 $0x1C05  }
0xb7: {  	[timem:s3], [sflag:s2] =	dma.local @!p0 [hbm:s0], s1  }
0xb8: {  	s0 =	simm.s32 @!p0 $0x5  }
0xb9: {  	_ =	swait.ge @!p0 [sflag:s0], s1  }
0xba: {  	s1 =	ssub.s32 @!p0 $0x0, s1;
	[sflag:s0] =	ssyncset.done @!p0 $0x0  }
0xbb: {  	[sflag:s0] =	ssyncadd.s32 @!p0 s1  }
0xbc: {  	[bflag:$0x3] =	sbarrier.arrive $0xFFFF  }
0xbd: {  	_ =	shalt  }

</sc_bundles>
